<compile_context>
chip_gen: v7x
topology: tpu7x:2x2x1
jax: 0.10.2.dev20260603
libtpu: 0.0.44.dev20260713+nightly
codegen_flags: <defaults>
</compile_context>

<pallas_src>
import functools

import jax
import jax.numpy as jnp
from jax import lax
from jax.experimental import pallas as pl
from jax.experimental.pallas import tpu as pltpu
from jax.experimental.pallas import tpu_sc as plsc

N_ITEMS = 10000
N_OPS = 50000
E = 160000

K = 128
NCHUNK = 80
SUBEDGE = K * NCHUNK
EPAD = 16 * SUBEDGE
NACC = 10112
ZROWS = NACC // 16

NPAR = 10240
PK = 80
PCHUNK = 4
PER_W = PK * PCHUNK


def _sc_body(items_hbm, items2_hbm, ops2_hbm,
             ia0_hbm, ia1_hbm, oa0_hbm, oa1_hbm,
             par_hbm, zeros_hbm,
             out_par, out_ch, out_op,
             pidx_v, prows_v, idxd_v, idxs_v, rows_v, acc, sem):
    c = lax.axis_index("c")
    s = lax.axis_index("s")
    w = c * 16 + s

    for j in range(PCHUNK):
        off = w * PER_W + j * PK
        pltpu.sync_copy(par_hbm.at[pl.ds(off, PK)], pidx_v)
        pltpu.async_copy(items_hbm.at[pidx_v], prows_v, sem).wait()
        pltpu.sync_copy(prows_v, out_par.at[pl.ds(off, PK)])

    def edge_phase(dst_hbm, src_hbm, table_hbm, out_hbm):
        pltpu.sync_copy(zeros_hbm.at[pl.ds(s * ZROWS, ZROWS)],
                        acc.at[pl.ds(s * ZROWS, ZROWS)])
        plsc.subcore_barrier()

        def chunk(j, carry):
            off = s * SUBEDGE + j * K
            pltpu.sync_copy(dst_hbm.at[pl.ds(off, K)], idxd_v)
            pltpu.sync_copy(src_hbm.at[pl.ds(c * EPAD + off, K)], idxs_v)
            pltpu.async_copy(table_hbm.at[idxs_v], rows_v, sem).wait()
            pltpu.sync_copy(rows_v, acc.at[idxd_v], add=True)
            return carry

        lax.fori_loop(0, NCHUNK, chunk, 0)
        plsc.subcore_barrier()
        pltpu.sync_copy(acc.at[pl.ds(s * ZROWS, ZROWS)],
                        out_hbm.at[pl.ds(c * NACC + s * ZROWS, ZROWS)])
        plsc.subcore_barrier()

    edge_phase(ia0_hbm, ia1_hbm, items2_hbm, out_ch)
    edge_phase(oa0_hbm, oa1_hbm, ops2_hbm, out_op)


def _sc_gather_scatter(items, items2, ops2, ia0, ia1, oa0, oa1, par, zeros):
    mesh = plsc.VectorSubcoreMesh(core_axis_name="c", subcore_axis_name="s")
    fn = functools.partial(
        pl.kernel, _sc_body, mesh=mesh,
        out_type=(
            jax.ShapeDtypeStruct((NPAR, 256), jnp.float32),
            jax.ShapeDtypeStruct((2 * NACC, 128), jnp.float32),
            jax.ShapeDtypeStruct((2 * NACC, 128), jnp.float32),
        ),
        scratch_types=[
            pltpu.VMEM((PK,), jnp.int32),
            pltpu.VMEM((PK, 256), jnp.float32),
            pltpu.VMEM((K,), jnp.int32),
            pltpu.VMEM((K,), jnp.int32),
            pltpu.VMEM((K, 128), jnp.float32),
            pltpu.VMEM_SHARED((NACC, 128), jnp.float32),
            pltpu.SemaphoreType.DMA,
        ],
    )()
    return fn(items, items2, ops2, ia0, ia1, oa0, oa1, par, zeros)



BN = 1000


def _elu(x):
    return jnp.where(x > 0, x, jnp.exp(jnp.minimum(x, 0.0)) - 1.0)


def _mlp_full_body(x_ref, w0_ref, b0_ref, w1_ref, b1_ref, w2_ref, b2_ref, o_ref):
    h = jnp.dot(x_ref[...], w0_ref[...], preferred_element_type=jnp.float32)
    h = _elu(h + b0_ref[...])
    h = jnp.dot(h, w1_ref[...], preferred_element_type=jnp.float32)
    h = _elu(h + b1_ref[...])
    o_ref[...] = jnp.dot(h, w2_ref[...], preferred_element_type=jnp.float32) + b2_ref[...]


def _mlp_full(x, w0, b0, w1, b1, w2, b2):
    n = x.shape[0]
    grid = n // BN
    return pl.pallas_call(
        _mlp_full_body,
        grid=(grid,),
        in_specs=[
            pl.BlockSpec((BN, 256), lambda i: (i, 0)),
            pl.BlockSpec((256, 512), lambda i: (0, 0)),
            pl.BlockSpec((1, 512), lambda i: (0, 0)),
            pl.BlockSpec((512, 512), lambda i: (0, 0)),
            pl.BlockSpec((1, 512), lambda i: (0, 0)),
            pl.BlockSpec((512, 256), lambda i: (0, 0)),
            pl.BlockSpec((1, 256), lambda i: (0, 0)),
        ],
        out_specs=pl.BlockSpec((BN, 256), lambda i: (i, 0)),
        out_shape=jax.ShapeDtypeStruct((n, 256), jnp.float32),
    )(x, w0, b0.reshape(1, -1), w1, b1.reshape(1, -1), w2, b2.reshape(1, -1))


def _mlp_split_body(xl_ref, xh_ref, w0a_ref, w0b_ref, b0_ref, w1_ref, b1_ref,
                    w2_ref, b2_ref, o_ref):
    h = jnp.dot(xl_ref[...], w0a_ref[...], preferred_element_type=jnp.float32)
    h += jnp.dot(xh_ref[...], w0b_ref[...], preferred_element_type=jnp.float32)
    h = _elu(h + b0_ref[...])
    h = jnp.dot(h, w1_ref[...], preferred_element_type=jnp.float32)
    h = _elu(h + b1_ref[...])
    o_ref[...] = jnp.dot(h, w2_ref[...], preferred_element_type=jnp.float32) + b2_ref[...]


def _mlp_split(xl, xh, w0, b0, w1, b1, w2, b2):
    n = xl.shape[0]
    grid = n // BN
    return pl.pallas_call(
        _mlp_split_body,
        grid=(grid,),
        in_specs=[
            pl.BlockSpec((BN, 128), lambda i: (i, 0)),
            pl.BlockSpec((BN, 128), lambda i: (i, 0)),
            pl.BlockSpec((128, 512), lambda i: (0, 0)),
            pl.BlockSpec((128, 512), lambda i: (0, 0)),
            pl.BlockSpec((1, 512), lambda i: (0, 0)),
            pl.BlockSpec((512, 512), lambda i: (0, 0)),
            pl.BlockSpec((1, 512), lambda i: (0, 0)),
            pl.BlockSpec((512, 256), lambda i: (0, 0)),
            pl.BlockSpec((1, 256), lambda i: (0, 0)),
        ],
        out_specs=pl.BlockSpec((BN, 256), lambda i: (i, 0)),
        out_shape=jax.ShapeDtypeStruct((n, 256), jnp.float32),
    )(xl, xh, w0[:128], w0[128:], b0.reshape(1, -1), w1, b1.reshape(1, -1),
      w2, b2.reshape(1, -1))


def _combined_body(xp_ref, xc_ref, xo_ref, xs_ref,
                   wp_ref, wc_ref, wo_ref, ws_ref, b0_ref,
                   w1_ref, b1_ref, w2_ref, b2_ref, o_ref):
    h = jnp.dot(xp_ref[...], wp_ref[...], preferred_element_type=jnp.float32)
    h += jnp.dot(xc_ref[...], wc_ref[...], preferred_element_type=jnp.float32)
    h += jnp.dot(xo_ref[...], wo_ref[...], preferred_element_type=jnp.float32)
    h += jnp.dot(xs_ref[...], ws_ref[...], preferred_element_type=jnp.float32)
    h = _elu(h + b0_ref[...])
    h = jnp.dot(h, w1_ref[...], preferred_element_type=jnp.float32)
    h = _elu(h + b1_ref[...])
    o = jnp.dot(h, w2_ref[...], preferred_element_type=jnp.float32) + b2_ref[...]
    i = pl.program_id(0)
    row = i * BN + lax.broadcasted_iota(jnp.int32, (BN, 256), 0)
    o_ref[...] = jnp.where(row < N_ITEMS - 1, o, 0.0)


def _combined_mlp(xp, xc, xo, xs, w0, b0, w1, b1, w2, b2):
    n = xp.shape[0]
    grid = n // BN
    xspec = pl.BlockSpec((BN, 256), lambda i: (i, 0))
    wspec = pl.BlockSpec((256, 512), lambda i: (0, 0))
    return pl.pallas_call(
        _combined_body,
        grid=(grid,),
        in_specs=[
            xspec, xspec, xspec, xspec,
            wspec, wspec, wspec, wspec,
            pl.BlockSpec((1, 512), lambda i: (0, 0)),
            pl.BlockSpec((512, 512), lambda i: (0, 0)),
            pl.BlockSpec((1, 512), lambda i: (0, 0)),
            pl.BlockSpec((512, 256), lambda i: (0, 0)),
            pl.BlockSpec((1, 256), lambda i: (0, 0)),
        ],
        out_specs=pl.BlockSpec((BN, 256), lambda i: (i, 0)),
        out_shape=jax.ShapeDtypeStruct((n, 256), jnp.float32),
    )(xp, xc, xo, xs, w0[0:256], w0[256:512], w0[512:768], w0[768:1024],
      b0.reshape(1, -1), w1, b1.reshape(1, -1), w2, b2.reshape(1, -1))


def kernel(items, operations, parents, item_assembly_edge_index, operation_assembly_edge_index, W_self_0, b_self_0, W_self_1, b_self_1, W_self_2, b_self_2, W_parent_0, b_parent_0, W_parent_1, b_parent_1, W_parent_2, b_parent_2, W_children_0, b_children_0, W_children_1, b_children_1, W_children_2, b_children_2, W_operations_0, b_operations_0, W_operations_1, b_operations_1, W_operations_2, b_operations_2, W_combined_0, b_combined_0, W_combined_1, b_combined_1, W_combined_2, b_combined_2):
    ia = item_assembly_edge_index.astype(jnp.int32)
    oa = operation_assembly_edge_index.astype(jnp.int32)
    parents = parents.astype(jnp.int32)

    pad = EPAD - E
    ia0 = jnp.concatenate([ia[0], jnp.full((pad,), N_ITEMS, jnp.int32)])
    oa0 = jnp.concatenate([oa[0], jnp.full((pad,), N_ITEMS, jnp.int32)])
    ia_s = jnp.concatenate([ia[1], jnp.zeros((pad,), jnp.int32)])
    oa_s = jnp.concatenate([oa[1], jnp.zeros((pad,), jnp.int32)])
    ia1 = jnp.concatenate([2 * ia_s, 2 * ia_s + 1])
    oa1 = jnp.concatenate([2 * oa_s, 2 * oa_s + 1])
    par = jnp.concatenate([parents, jnp.zeros((NPAR - N_ITEMS,), jnp.int32)])

    items2 = items.reshape(2 * N_ITEMS, 128)
    ops2 = operations.reshape(2 * N_OPS, 128)
    zeros = jnp.zeros((NACC, 128), jnp.float32)

    out_par, out_ch, out_op = _sc_gather_scatter(
        items, items2, ops2, ia0, ia1, oa0, oa1, par, zeros)

    ch_lo, ch_hi = out_ch[:N_ITEMS], out_ch[NACC:NACC + N_ITEMS]
    op_lo, op_hi = out_op[:N_ITEMS], out_op[NACC:NACC + N_ITEMS]

    self_emb = _mlp_full(items, W_self_0, b_self_0, W_self_1, b_self_1,
                         W_self_2, b_self_2)
    parent_emb = _mlp_full(out_par[:N_ITEMS], W_parent_0, b_parent_0,
                           W_parent_1, b_parent_1, W_parent_2, b_parent_2)
    ch_emb = _mlp_split(ch_lo, ch_hi, W_children_0, b_children_0,
                        W_children_1, b_children_1, W_children_2, b_children_2)
    op_emb = _mlp_split(op_lo, op_hi, W_operations_0, b_operations_0,
                        W_operations_1, b_operations_1, W_operations_2,
                        b_operations_2)
    return _combined_mlp(parent_emb, ch_emb, op_emb, self_emb,
                         W_combined_0, b_combined_0, W_combined_1, b_combined_1,
                         W_combined_2, b_combined_2)

# --- scband reference (transcript-rebuilt; emitter-appended) ---
"""Pipeline reference for scband-l1-embbeding-gnn-74208444940409 (READ-ONLY COPY).

The authoritative reference and input builder live on the scoring server;
editing this copy changes nothing except your own understanding.
"""

import jax, jax.numpy as jnp
import numpy as np

N_ITEMS = 10000
N_OPS = 50000
ITEM_DIM = 256
OP_DIM = 256
HID = 512
OUT = 256
E1 = 160000
E2 = 160000

_MLP_DIMS = {
    'self': [ITEM_DIM, HID, HID, OUT],
    'parent': [ITEM_DIM, HID, HID, OUT],
    'children': [ITEM_DIM, HID, HID, OUT],
    'operations': [OP_DIM, HID, HID, OUT],
    'combined': [4 * OUT, HID, HID, OUT],
}

def setup_inputs(seed: int = 0):
    key = jax.random.key(seed)
    inp = {}
    inp['items'] = jax.random.normal(jax.random.fold_in(key, 0), (N_ITEMS, ITEM_DIM), dtype=jnp.float32)
    inp['operations'] = jax.random.normal(jax.random.fold_in(key, 1), (N_OPS, OP_DIM), dtype=jnp.float32)
    inp['parents'] = jax.random.randint(jax.random.fold_in(key, 2), (N_ITEMS,), 0, N_ITEMS)
    inp['item_assembly_edge_index'] = jax.random.randint(jax.random.fold_in(key, 3), (2, E1), 0, N_ITEMS)
    inp['operation_assembly_edge_index'] = jax.random.randint(jax.random.fold_in(key, 4), (2, E2), 0, N_ITEMS)
    c = 10
    for name, dims in _MLP_DIMS.items():
        for i in range(3):
            inp['W_%s_%d' % (name, i)] = jax.random.normal(jax.random.fold_in(key, c), (dims[i], dims[i + 1]), dtype=jnp.float32) * (1.0 / np.sqrt(dims[i]))
            c += 1
            inp['b_%s_%d' % (name, i)] = jnp.zeros((dims[i + 1],), dtype=jnp.float32)
    return inp

def _mlp(params, name, x):
    for i in range(3):
        x = x @ params['W_%s_%d' % (name, i)] + params['b_%s_%d' % (name, i)]
        if i < 2:
            x = jax.nn.elu(x)
    return x

def reference(items, operations, parents, item_assembly_edge_index, operation_assembly_edge_index,
              W_self_0, b_self_0, W_self_1, b_self_1, W_self_2, b_self_2,
              W_parent_0, b_parent_0, W_parent_1, b_parent_1, W_parent_2, b_parent_2,
              W_children_0, b_children_0, W_children_1, b_children_1, W_children_2, b_children_2,
              W_operations_0, b_operations_0, W_operations_1, b_operations_1, W_operations_2, b_operations_2,
              W_combined_0, b_combined_0, W_combined_1, b_combined_1, W_combined_2, b_combined_2):
    inp = dict(locals())
    items = inp['items']
    operations = inp['operations']
    parents = inp['parents']
    ia = inp['item_assembly_edge_index']
    oa = inp['operation_assembly_edge_index']
    self_emb = _mlp(inp, 'self', items)
    parent_emb = _mlp(inp, 'parent', items[parents])
    agg_children = jnp.zeros((items.shape[0], items.shape[1]), dtype=jnp.float32).at[ia[0]].add(items[ia[1]])
    agg_children = _mlp(inp, 'children', agg_children)
    agg_ops = jnp.zeros((items.shape[0], operations.shape[1]), dtype=jnp.float32).at[oa[0]].add(operations[oa[1]])
    agg_ops = _mlp(inp, 'operations', agg_ops)
    combined = _mlp(inp, 'combined', jnp.concatenate([parent_emb[:-1], agg_children[:-1], agg_ops[:-1], self_emb[:-1]], axis=-1))
    embedding = jnp.zeros((items.shape[0], OUT), dtype=jnp.float32).at[:-1].set(combined)
    return embedding

if __name__ == "__main__":
    import jax
    _d = setup_inputs()
    print(jax.jit(kernel)(*tuple(_d.values())))

</pallas_src>

<mosaic_0001>
#map = affine_map<(d0, d1) -> (0, 0)>
#map1 = affine_map<(d0, d1) -> (0)>
module attributes {stable_mosaic.version = 14 : i64} {
  func.func @_sc_body(%arg0: i32, %arg1: i32, %arg2: memref<10000x256xf32, #tpu.memory_space<hbm>>, %arg3: memref<20000x128xf32, #tpu.memory_space<hbm>>, %arg4: memref<100000x128xf32, #tpu.memory_space<hbm>>, %arg5: memref<163840xi32, #tpu.memory_space<hbm>>, %arg6: memref<327680xi32, #tpu.memory_space<hbm>>, %arg7: memref<163840xi32, #tpu.memory_space<hbm>>, %arg8: memref<327680xi32, #tpu.memory_space<hbm>>, %arg9: memref<10240xi32, #tpu.memory_space<hbm>>, %arg10: memref<10112x128xf32, #tpu.memory_space<hbm>>, %arg11: memref<10240x256xf32, #tpu.memory_space<hbm>>, %arg12: memref<20224x128xf32, #tpu.memory_space<hbm>>, %arg13: memref<20224x128xf32, #tpu.memory_space<hbm>>, %arg14: memref<80xi32, #tpu.memory_space<vmem>>, %arg15: memref<80x256xf32, #tpu.memory_space<vmem>>, %arg16: memref<128xi32, #tpu.memory_space<vmem>>, %arg17: memref<128xi32, #tpu.memory_space<vmem>>, %arg18: memref<128x128xf32, #tpu.memory_space<vmem>>, %arg19: memref<10112x128xf32, #tpu.memory_space<vmem_shared>>, %arg20: memref<!tpu.dma_semaphore, #tpu.memory_space<semaphore_mem>>) attributes {dimension_semantics = [#tpu.dimension_semantics<core_parallel>, #tpu.dimension_semantics<subcore_parallel>], iteration_bounds = array<i64: 2, 16>, scalar_prefetch = 0 : i64, scratch_operands = 7 : i64, tpu.core_type = #tpu.core_type<sc_vector_subcore>, window_params = [{transform_indices = #map}, {transform_indices = #map}, {transform_indices = #map}, {transform_indices = #map1}, {transform_indices = #map1}, {transform_indices = #map1}, {transform_indices = #map1}, {transform_indices = #map1}, {transform_indices = #map}, {transform_indices = #map}, {transform_indices = #map}, {transform_indices = #map}]} {
    %mul3A = arith.constant 16 : i32
    %mul3A_0 = arith.muli %arg0, %mul3A : i32
    %add3A = arith.addi %mul3A_0, %arg1 : i32
    %mul3A_1 = arith.constant 320 : i32
    %mul3A_2 = arith.muli %add3A, %mul3A_1 : i32
    %add3A_3 = arith.constant 0 : i32
    %add3A_4 = arith.addi %mul3A_2, %add3A_3 : i32
    "tpu.region"() ({
      %run_scoped3A = tpu.sem_alloc : memref<!tpu.dma_semaphore, #tpu.memory_space<semaphore_mem>>
      %dma_start3A_77 = tpu.memref_slice %arg9[%add3A_4] : memref<10240xi32, #tpu.memory_space<hbm>> -> memref<80xi32, #tpu.memory_space<hbm>>
      %dma_start3A_78 = tpu.memref_slice %arg9[%add3A_4] : memref<10240xi32, #tpu.memory_space<hbm>> -> memref<80xi32, #tpu.memory_space<hbm>>
      tpu.enqueue_dma source(%dma_start3A_78 : memref<80xi32, #tpu.memory_space<hbm>>) target(%arg14 : memref<80xi32, #tpu.memory_space<vmem>>) target_semaphore(%run_scoped3A : memref<!tpu.dma_semaphore, #tpu.memory_space<semaphore_mem>>)
      %dma_wait3A_79 = tpu.memref_slice %arg9[%add3A_4] : memref<10240xi32, #tpu.memory_space<hbm>> -> memref<80xi32, #tpu.memory_space<hbm>>
      %dma_wait3A_80 = tpu.memref_slice %arg9[%add3A_4] : memref<10240xi32, #tpu.memory_space<hbm>> -> memref<80xi32, #tpu.memory_space<hbm>>
      tpu.wait_dma2 semaphore(%run_scoped3A : memref<!tpu.dma_semaphore, #tpu.memory_space<semaphore_mem>>) src(%dma_wait3A_80 : memref<80xi32, #tpu.memory_space<hbm>>) dst(%arg14 : memref<80xi32, #tpu.memory_space<vmem>>)
      tpu.yield
    }) : () -> ()
    %dma_start3A = arith.constant 0 : i32
    %dma_start3A_5 = arith.constant 0 : i32
    %dma_start3A_6 = tpu.memref_slice %arg2[%dma_start3A, %dma_start3A_5] : memref<10000x256xf32, #tpu.memory_space<hbm>> -> memref<10000x256xf32, #tpu.memory_space<hbm>>
    tpu.enqueue_indirect_dma source(%dma_start3A_6 : memref<10000x256xf32, #tpu.memory_space<hbm>>) target(%arg15 : memref<80x256xf32, #tpu.memory_space<vmem>>) offsets(%arg14 : memref<80xi32, #tpu.memory_space<vmem>>) semaphore(%arg20 : memref<!tpu.dma_semaphore, #tpu.memory_space<semaphore_mem>>)
    %dma_wait3A = arith.constant 0 : i32
    %dma_wait3A_7 = arith.constant 0 : i32
    %dma_wait3A_8 = tpu.memref_slice %arg2[%dma_wait3A, %dma_wait3A_7] : memref<10000x256xf32, #tpu.memory_space<hbm>> -> memref<10000x256xf32, #tpu.memory_space<hbm>>
    tpu.wait_indirect_dma semaphore(%arg20 : memref<!tpu.dma_semaphore, #tpu.memory_space<semaphore_mem>>) src(%dma_wait3A_8 : memref<10000x256xf32, #tpu.memory_space<hbm>>) dst(%arg15 : memref<80x256xf32, #tpu.memory_space<vmem>>)
    "tpu.region"() ({
      %run_scoped3A = tpu.sem_alloc : memref<!tpu.dma_semaphore, #tpu.memory_space<semaphore_mem>>
      %dma_start3A_77 = arith.constant 0 : i32
      %dma_start3A_78 = tpu.memref_slice %arg11[%add3A_4, %dma_start3A_77] : memref<10240x256xf32, #tpu.memory_space<hbm>> -> memref<80x256xf32, #tpu.memory_space<hbm>>
      %dma_start3A_79 = arith.constant 0 : i32
      %dma_start3A_80 = tpu.memref_slice %arg11[%add3A_4, %dma_start3A_79] : memref<10240x256xf32, #tpu.memory_space<hbm>> -> memref<80x256xf32, #tpu.memory_space<hbm>>
      tpu.enqueue_dma source(%arg15 : memref<80x256xf32, #tpu.memory_space<vmem>>) target(%dma_start3A_80 : memref<80x256xf32, #tpu.memory_space<hbm>>) target_semaphore(%run_scoped3A : memref<!tpu.dma_semaphore, #tpu.memory_space<semaphore_mem>>)
      %dma_wait3A_81 = arith.constant 0 : i32
      %dma_wait3A_82 = tpu.memref_slice %arg11[%add3A_4, %dma_wait3A_81] : memref<10240x256xf32, #tpu.memory_space<hbm>> -> memref<80x256xf32, #tpu.memory_space<hbm>>
      %dma_wait3A_83 = arith.constant 0 : i32
      %dma_wait3A_84 = tpu.memref_slice %arg11[%add3A_4, %dma_wait3A_83] : memref<10240x256xf32, #tpu.memory_space<hbm>> -> memref<80x256xf32, #tpu.memory_space<hbm>>
      tpu.wait_dma2 semaphore(%run_scoped3A : memref<!tpu.dma_semaphore, #tpu.memory_space<semaphore_mem>>) src(%arg15 : memref<80x256xf32, #tpu.memory_space<vmem>>) dst(%dma_wait3A_84 : memref<80x256xf32, #tpu.memory_space<hbm>>)
      tpu.yield
    }) : () -> ()
    %mul3A_9 = arith.constant 320 : i32
    %mul3A_10 = arith.muli %add3A, %mul3A_9 : i32
    %add3A_11 = arith.constant 80 : i32
    %add3A_12 = arith.addi %mul3A_10, %add3A_11 : i32
    "tpu.region"() ({
      %run_scoped3A = tpu.sem_alloc : memref<!tpu.dma_semaphore, #tpu.memory_space<semaphore_mem>>
      %dma_start3A_77 = tpu.memref_slice %arg9[%add3A_12] : memref<10240xi32, #tpu.memory_space<hbm>> -> memref<80xi32, #tpu.memory_space<hbm>>
      %dma_start3A_78 = tpu.memref_slice %arg9[%add3A_12] : memref<10240xi32, #tpu.memory_space<hbm>> -> memref<80xi32, #tpu.memory_space<hbm>>
      tpu.enqueue_dma source(%dma_start3A_78 : memref<80xi32, #tpu.memory_space<hbm>>) target(%arg14 : memref<80xi32, #tpu.memory_space<vmem>>) target_semaphore(%run_scoped3A : memref<!tpu.dma_semaphore, #tpu.memory_space<semaphore_mem>>)
      %dma_wait3A_79 = tpu.memref_slice %arg9[%add3A_12] : memref<10240xi32, #tpu.memory_space<hbm>> -> memref<80xi32, #tpu.memory_space<hbm>>
      %dma_wait3A_80 = tpu.memref_slice %arg9[%add3A_12] : memref<10240xi32, #tpu.memory_space<hbm>> -> memref<80xi32, #tpu.memory_space<hbm>>
      tpu.wait_dma2 semaphore(%run_scoped3A : memref<!tpu.dma_semaphore, #tpu.memory_space<semaphore_mem>>) src(%dma_wait3A_80 : memref<80xi32, #tpu.memory_space<hbm>>) dst(%arg14 : memref<80xi32, #tpu.memory_space<vmem>>)
      tpu.yield
    }) : () -> ()
    %dma_start3A_13 = arith.constant 0 : i32
    %dma_start3A_14 = arith.constant 0 : i32
    %dma_start3A_15 = tpu.memref_slice %arg2[%dma_start3A_13, %dma_start3A_14] : memref<10000x256xf32, #tpu.memory_space<hbm>> -> memref<10000x256xf32, #tpu.memory_space<hbm>>
    tpu.enqueue_indirect_dma source(%dma_start3A_15 : memref<10000x256xf32, #tpu.memory_space<hbm>>) target(%arg15 : memref<80x256xf32, #tpu.memory_space<vmem>>) offsets(%arg14 : memref<80xi32, #tpu.memory_space<vmem>>) semaphore(%arg20 : memref<!tpu.dma_semaphore, #tpu.memory_space<semaphore_mem>>)
    %dma_wait3A_16 = arith.constant 0 : i32
    %dma_wait3A_17 = arith.constant 0 : i32
    %dma_wait3A_18 = tpu.memref_slice %arg2[%dma_wait3A_16, %dma_wait3A_17] : memref<10000x256xf32, #tpu.memory_space<hbm>> -> memref<10000x256xf32, #tpu.memory_space<hbm>>
    tpu.wait_indirect_dma semaphore(%arg20 : memref<!tpu.dma_semaphore, #tpu.memory_space<semaphore_mem>>) src(%dma_wait3A_18 : memref<10000x256xf32, #tpu.memory_space<hbm>>) dst(%arg15 : memref<80x256xf32, #tpu.memory_space<vmem>>)
    "tpu.region"() ({
      %run_scoped3A = tpu.sem_alloc : memref<!tpu.dma_semaphore, #tpu.memory_space<semaphore_mem>>
      %dma_start3A_77 = arith.constant 0 : i32
      %dma_start3A_78 = tpu.memref_slice %arg11[%add3A_12, %dma_start3A_77] : memref<10240x256xf32, #tpu.memory_space<hbm>> -> memref<80x256xf32, #tpu.memory_space<hbm>>
      %dma_start3A_79 = arith.constant 0 : i32
      %dma_start3A_80 = tpu.memref_slice %arg11[%add3A_12, %dma_start3A_79] : memref<10240x256xf32, #tpu.memory_space<hbm>> -> memref<80x256xf32, #tpu.memory_space<hbm>>
      tpu.enqueue_dma source(%arg15 : memref<80x256xf32, #tpu.memory_space<vmem>>) target(%dma_start3A_80 : memref<80x256xf32, #tpu.memory_space<hbm>>) target_semaphore(%run_scoped3A : memref<!tpu.dma_semaphore, #tpu.memory_space<semaphore_mem>>)
      %dma_wait3A_81 = arith.constant 0 : i32
      %dma_wait3A_82 = tpu.memref_slice %arg11[%add3A_12, %dma_wait3A_81] : memref<10240x256xf32, #tpu.memory_space<hbm>> -> memref<80x256xf32, #tpu.memory_space<hbm>>
      %dma_wait3A_83 = arith.constant 0 : i32
      %dma_wait3A_84 = tpu.memref_slice %arg11[%add3A_12, %dma_wait3A_83] : memref<10240x256xf32, #tpu.memory_space<hbm>> -> memref<80x256xf32, #tpu.memory_space<hbm>>
      tpu.wait_dma2 semaphore(%run_scoped3A : memref<!tpu.dma_semaphore, #tpu.memory_space<semaphore_mem>>) src(%arg15 : memref<80x256xf32, #tpu.memory_space<vmem>>) dst(%dma_wait3A_84 : memref<80x256xf32, #tpu.memory_space<hbm>>)
      tpu.yield
    }) : () -> ()
    %mul3A_19 = arith.constant 320 : i32
    %mul3A_20 = arith.muli %add3A, %mul3A_19 : i32
    %add3A_21 = arith.constant 160 : i32
    %add3A_22 = arith.addi %mul3A_20, %add3A_21 : i32
    "tpu.region"() ({
      %run_scoped3A = tpu.sem_alloc : memref<!tpu.dma_semaphore, #tpu.memory_space<semaphore_mem>>
      %dma_start3A_77 = tpu.memref_slice %arg9[%add3A_22] : memref<10240xi32, #tpu.memory_space<hbm>> -> memref<80xi32, #tpu.memory_space<hbm>>
      %dma_start3A_78 = tpu.memref_slice %arg9[%add3A_22] : memref<10240xi32, #tpu.memory_space<hbm>> -> memref<80xi32, #tpu.memory_space<hbm>>
      tpu.enqueue_dma source(%dma_start3A_78 : memref<80xi32, #tpu.memory_space<hbm>>) target(%arg14 : memref<80xi32, #tpu.memory_space<vmem>>) target_semaphore(%run_scoped3A : memref<!tpu.dma_semaphore, #tpu.memory_space<semaphore_mem>>)
      %dma_wait3A_79 = tpu.memref_slice %arg9[%add3A_22] : memref<10240xi32, #tpu.memory_space<hbm>> -> memref<80xi32, #tpu.memory_space<hbm>>
      %dma_wait3A_80 = tpu.memref_slice %arg9[%add3A_22] : memref<10240xi32, #tpu.memory_space<hbm>> -> memref<80xi32, #tpu.memory_space<hbm>>
      tpu.wait_dma2 semaphore(%run_scoped3A : memref<!tpu.dma_semaphore, #tpu.memory_space<semaphore_mem>>) src(%dma_wait3A_80 : memref<80xi32, #tpu.memory_space<hbm>>) dst(%arg14 : memref<80xi32, #tpu.memory_space<vmem>>)
      tpu.yield
    }) : () -> ()
    %dma_start3A_23 = arith.constant 0 : i32
    %dma_start3A_24 = arith.constant 0 : i32
    %dma_start3A_25 = tpu.memref_slice %arg2[%dma_start3A_23, %dma_start3A_24] : memref<10000x256xf32, #tpu.memory_space<hbm>> -> memref<10000x256xf32, #tpu.memory_space<hbm>>
    tpu.enqueue_indirect_dma source(%dma_start3A_25 : memref<10000x256xf32, #tpu.memory_space<hbm>>) target(%arg15 : memref<80x256xf32, #tpu.memory_space<vmem>>) offsets(%arg14 : memref<80xi32, #tpu.memory_space<vmem>>) semaphore(%arg20 : memref<!tpu.dma_semaphore, #tpu.memory_space<semaphore_mem>>)
    %dma_wait3A_26 = arith.constant 0 : i32
    %dma_wait3A_27 = arith.constant 0 : i32
    %dma_wait3A_28 = tpu.memref_slice %arg2[%dma_wait3A_26, %dma_wait3A_27] : memref<10000x256xf32, #tpu.memory_space<hbm>> -> memref<10000x256xf32, #tpu.memory_space<hbm>>
    tpu.wait_indirect_dma semaphore(%arg20 : memref<!tpu.dma_semaphore, #tpu.memory_space<semaphore_mem>>) src(%dma_wait3A_28 : memref<10000x256xf32, #tpu.memory_space<hbm>>) dst(%arg15 : memref<80x256xf32, #tpu.memory_space<vmem>>)
    "tpu.region"() ({
      %run_scoped3A = tpu.sem_alloc : memref<!tpu.dma_semaphore, #tpu.memory_space<semaphore_mem>>
      %dma_start3A_77 = arith.constant 0 : i32
      %dma_start3A_78 = tpu.memref_slice %arg11[%add3A_22, %dma_start3A_77] : memref<10240x256xf32, #tpu.memory_space<hbm>> -> memref<80x256xf32, #tpu.memory_space<hbm>>
      %dma_start3A_79 = arith.constant 0 : i32
      %dma_start3A_80 = tpu.memref_slice %arg11[%add3A_22, %dma_start3A_79] : memref<10240x256xf32, #tpu.memory_space<hbm>> -> memref<80x256xf32, #tpu.memory_space<hbm>>
      tpu.enqueue_dma source(%arg15 : memref<80x256xf32, #tpu.memory_space<vmem>>) target(%dma_start3A_80 : memref<80x256xf32, #tpu.memory_space<hbm>>) target_semaphore(%run_scoped3A : memref<!tpu.dma_semaphore, #tpu.memory_space<semaphore_mem>>)
      %dma_wait3A_81 = arith.constant 0 : i32
      %dma_wait3A_82 = tpu.memref_slice %arg11[%add3A_22, %dma_wait3A_81] : memref<10240x256xf32, #tpu.memory_space<hbm>> -> memref<80x256xf32, #tpu.memory_space<hbm>>
      %dma_wait3A_83 = arith.constant 0 : i32
      %dma_wait3A_84 = tpu.memref_slice %arg11[%add3A_22, %dma_wait3A_83] : memref<10240x256xf32, #tpu.memory_space<hbm>> -> memref<80x256xf32, #tpu.memory_space<hbm>>
      tpu.wait_dma2 semaphore(%run_scoped3A : memref<!tpu.dma_semaphore, #tpu.memory_space<semaphore_mem>>) src(%arg15 : memref<80x256xf32, #tpu.memory_space<vmem>>) dst(%dma_wait3A_84 : memref<80x256xf32, #tpu.memory_space<hbm>>)
      tpu.yield
    }) : () -> ()
    %mul3A_29 = arith.constant 320 : i32
    %mul3A_30 = arith.muli %add3A, %mul3A_29 : i32
    %add3A_31 = arith.constant 240 : i32
    %add3A_32 = arith.addi %mul3A_30, %add3A_31 : i32
    "tpu.region"() ({
      %run_scoped3A = tpu.sem_alloc : memref<!tpu.dma_semaphore, #tpu.memory_space<semaphore_mem>>
      %dma_start3A_77 = tpu.memref_slice %arg9[%add3A_32] : memref<10240xi32, #tpu.memory_space<hbm>> -> memref<80xi32, #tpu.memory_space<hbm>>
      %dma_start3A_78 = tpu.memref_slice %arg9[%add3A_32] : memref<10240xi32, #tpu.memory_space<hbm>> -> memref<80xi32, #tpu.memory_space<hbm>>
      tpu.enqueue_dma source(%dma_start3A_78 : memref<80xi32, #tpu.memory_space<hbm>>) target(%arg14 : memref<80xi32, #tpu.memory_space<vmem>>) target_semaphore(%run_scoped3A : memref<!tpu.dma_semaphore, #tpu.memory_space<semaphore_mem>>)
      %dma_wait3A_79 = tpu.memref_slice %arg9[%add3A_32] : memref<10240xi32, #tpu.memory_space<hbm>> -> memref<80xi32, #tpu.memory_space<hbm>>
      %dma_wait3A_80 = tpu.memref_slice %arg9[%add3A_32] : memref<10240xi32, #tpu.memory_space<hbm>> -> memref<80xi32, #tpu.memory_space<hbm>>
      tpu.wait_dma2 semaphore(%run_scoped3A : memref<!tpu.dma_semaphore, #tpu.memory_space<semaphore_mem>>) src(%dma_wait3A_80 : memref<80xi32, #tpu.memory_space<hbm>>) dst(%arg14 : memref<80xi32, #tpu.memory_space<vmem>>)
      tpu.yield
    }) : () -> ()
    %dma_start3A_33 = arith.constant 0 : i32
    %dma_start3A_34 = arith.constant 0 : i32
    %dma_start3A_35 = tpu.memref_slice %arg2[%dma_start3A_33, %dma_start3A_34] : memref<10000x256xf32, #tpu.memory_space<hbm>> -> memref<10000x256xf32, #tpu.memory_space<hbm>>
    tpu.enqueue_indirect_dma source(%dma_start3A_35 : memref<10000x256xf32, #tpu.memory_space<hbm>>) target(%arg15 : memref<80x256xf32, #tpu.memory_space<vmem>>) offsets(%arg14 : memref<80xi32, #tpu.memory_space<vmem>>) semaphore(%arg20 : memref<!tpu.dma_semaphore, #tpu.memory_space<semaphore_mem>>)
    %dma_wait3A_36 = arith.constant 0 : i32
    %dma_wait3A_37 = arith.constant 0 : i32
    %dma_wait3A_38 = tpu.memref_slice %arg2[%dma_wait3A_36, %dma_wait3A_37] : memref<10000x256xf32, #tpu.memory_space<hbm>> -> memref<10000x256xf32, #tpu.memory_space<hbm>>
    tpu.wait_indirect_dma semaphore(%arg20 : memref<!tpu.dma_semaphore, #tpu.memory_space<semaphore_mem>>) src(%dma_wait3A_38 : memref<10000x256xf32, #tpu.memory_space<hbm>>) dst(%arg15 : memref<80x256xf32, #tpu.memory_space<vmem>>)
    "tpu.region"() ({
      %run_scoped3A = tpu.sem_alloc : memref<!tpu.dma_semaphore, #tpu.memory_space<semaphore_mem>>
      %dma_start3A_77 = arith.constant 0 : i32
      %dma_start3A_78 = tpu.memref_slice %arg11[%add3A_32, %dma_start3A_77] : memref<10240x256xf32, #tpu.memory_space<hbm>> -> memref<80x256xf32, #tpu.memory_space<hbm>>
      %dma_start3A_79 = arith.constant 0 : i32
      %dma_start3A_80 = tpu.memref_slice %arg11[%add3A_32, %dma_start3A_79] : memref<10240x256xf32, #tpu.memory_space<hbm>> -> memref<80x256xf32, #tpu.memory_space<hbm>>
      tpu.enqueue_dma source(%arg15 : memref<80x256xf32, #tpu.memory_space<vmem>>) target(%dma_start3A_80 : memref<80x256xf32, #tpu.memory_space<hbm>>) target_semaphore(%run_scoped3A : memref<!tpu.dma_semaphore, #tpu.memory_space<semaphore_mem>>)
      %dma_wait3A_81 = arith.constant 0 : i32
      %dma_wait3A_82 = tpu.memref_slice %arg11[%add3A_32, %dma_wait3A_81] : memref<10240x256xf32, #tpu.memory_space<hbm>> -> memref<80x256xf32, #tpu.memory_space<hbm>>
      %dma_wait3A_83 = arith.constant 0 : i32
      %dma_wait3A_84 = tpu.memref_slice %arg11[%add3A_32, %dma_wait3A_83] : memref<10240x256xf32, #tpu.memory_space<hbm>> -> memref<80x256xf32, #tpu.memory_space<hbm>>
      tpu.wait_dma2 semaphore(%run_scoped3A : memref<!tpu.dma_semaphore, #tpu.memory_space<semaphore_mem>>) src(%arg15 : memref<80x256xf32, #tpu.memory_space<vmem>>) dst(%dma_wait3A_84 : memref<80x256xf32, #tpu.memory_space<hbm>>)
      tpu.yield
    }) : () -> ()
    %mul3A_39 = arith.constant 632 : i32
    %mul3A_40 = arith.muli %arg1, %mul3A_39 : i32
    %mul3A_41 = arith.constant 632 : i32
    %mul3A_42 = arith.muli %arg1, %mul3A_41 : i32
    "tpu.region"() ({
      %run_scoped3A = tpu.sem_alloc : memref<!tpu.dma_semaphore, #tpu.memory_space<semaphore_mem>>
      %dma_start3A_77 = arith.constant 0 : i32
      %dma_start3A_78 = tpu.memref_slice %arg19[%mul3A_42, %dma_start3A_77] : memref<10112x128xf32, #tpu.memory_space<vmem_shared>> -> memref<632x128xf32, #tpu.memory_space<vmem_shared>>
      %dma_start3A_79 = arith.constant 0 : i32
      %dma_start3A_80 = tpu.memref_slice %arg10[%mul3A_40, %dma_start3A_79] : memref<10112x128xf32, #tpu.memory_space<hbm>> -> memref<632x128xf32, #tpu.memory_space<hbm>>
      tpu.enqueue_dma source(%dma_start3A_80 : memref<632x128xf32, #tpu.memory_space<hbm>>) target(%dma_start3A_78 : memref<632x128xf32, #tpu.memory_space<vmem_shared>>) target_semaphore(%run_scoped3A : memref<!tpu.dma_semaphore, #tpu.memory_space<semaphore_mem>>)
      %dma_wait3A_81 = arith.constant 0 : i32
      %dma_wait3A_82 = tpu.memref_slice %arg19[%mul3A_42, %dma_wait3A_81] : memref<10112x128xf32, #tpu.memory_space<vmem_shared>> -> memref<632x128xf32, #tpu.memory_space<vmem_shared>>
      %dma_wait3A_83 = arith.constant 0 : i32
      %dma_wait3A_84 = tpu.memref_slice %arg10[%mul3A_40, %dma_wait3A_83] : memref<10112x128xf32, #tpu.memory_space<hbm>> -> memref<632x128xf32, #tpu.memory_space<hbm>>
      tpu.wait_dma2 semaphore(%run_scoped3A : memref<!tpu.dma_semaphore, #tpu.memory_space<semaphore_mem>>) src(%dma_wait3A_84 : memref<632x128xf32, #tpu.memory_space<hbm>>) dst(%dma_wait3A_82 : memref<632x128xf32, #tpu.memory_space<vmem_shared>>)
      tpu.yield
    }) : () -> ()
    %barrier3A = arith.constant 0 : index
    tpu.barrier barrier_id(%barrier3A)
    %scan3A = arith.constant 0 : i32
    %scan3A_43 = arith.constant 0 : i32
    %scan3A_44 = arith.constant 80 : i32
    %scan3A_45 = arith.addi %scan3A_43, %scan3A_44 : i32
    %scan3A_46 = arith.constant 1 : i32
    scf.for %scan3A_77 = %scan3A_43 to %scan3A_45 step %scan3A_46  : i32 {
      %mul3A_78 = arith.constant 10240 : i32
      %mul3A_79 = arith.muli %arg1, %mul3A_78 : i32
      %mul3A_80 = arith.constant 128 : i32
      %mul3A_81 = arith.muli %scan3A_77, %mul3A_80 : i32
      %add3A_82 = arith.addi %mul3A_79, %mul3A_81 : i32
      "tpu.region"() ({
        %run_scoped3A = tpu.sem_alloc : memref<!tpu.dma_semaphore, #tpu.memory_space<semaphore_mem>>
        %dma_start3A_92 = tpu.memref_slice %arg5[%add3A_82] : memref<163840xi32, #tpu.memory_space<hbm>> -> memref<128xi32, #tpu.memory_space<hbm>>
        %dma_start3A_93 = tpu.memref_slice %arg5[%add3A_82] : memref<163840xi32, #tpu.memory_space<hbm>> -> memref<128xi32, #tpu.memory_space<hbm>>
        tpu.enqueue_dma source(%dma_start3A_93 : memref<128xi32, #tpu.memory_space<hbm>>) target(%arg16 : memref<128xi32, #tpu.memory_space<vmem>>) target_semaphore(%run_scoped3A : memref<!tpu.dma_semaphore, #tpu.memory_space<semaphore_mem>>)
        %dma_wait3A_94 = tpu.memref_slice %arg5[%add3A_82] : memref<163840xi32, #tpu.memory_space<hbm>> -> memref<128xi32, #tpu.memory_space<hbm>>
        %dma_wait3A_95 = tpu.memref_slice %arg5[%add3A_82] : memref<163840xi32, #tpu.memory_space<hbm>> -> memref<128xi32, #tpu.memory_space<hbm>>
        tpu.wait_dma2 semaphore(%run_scoped3A : memref<!tpu.dma_semaphore, #tpu.memory_space<semaphore_mem>>) src(%dma_wait3A_95 : memref<128xi32, #tpu.memory_space<hbm>>) dst(%arg16 : memref<128xi32, #tpu.memory_space<vmem>>)
        tpu.yield
      }) : () -> ()
      %mul3A_83 = arith.constant 163840 : i32
      %mul3A_84 = arith.muli %arg0, %mul3A_83 : i32
      %add3A_85 = arith.addi %mul3A_84, %add3A_82 : i32
      "tpu.region"() ({
        %run_scoped3A = tpu.sem_alloc : memref<!tpu.dma_semaphore, #tpu.memory_space<semaphore_mem>>
        %dma_start3A_92 = tpu.memref_slice %arg6[%add3A_85] : memref<327680xi32, #tpu.memory_space<hbm>> -> memref<128xi32, #tpu.memory_space<hbm>>
        %dma_start3A_93 = tpu.memref_slice %arg6[%add3A_85] : memref<327680xi32, #tpu.memory_space<hbm>> -> memref<128xi32, #tpu.memory_space<hbm>>
        tpu.enqueue_dma source(%dma_start3A_93 : memref<128xi32, #tpu.memory_space<hbm>>) target(%arg17 : memref<128xi32, #tpu.memory_space<vmem>>) target_semaphore(%run_scoped3A : memref<!tpu.dma_semaphore, #tpu.memory_space<semaphore_mem>>)
        %dma_wait3A_94 = tpu.memref_slice %arg6[%add3A_85] : memref<327680xi32, #tpu.memory_space<hbm>> -> memref<128xi32, #tpu.memory_space<hbm>>
        %dma_wait3A_95 = tpu.memref_slice %arg6[%add3A_85] : memref<327680xi32, #tpu.memory_space<hbm>> -> memref<128xi32, #tpu.memory_space<hbm>>
        tpu.wait_dma2 semaphore(%run_scoped3A : memref<!tpu.dma_semaphore, #tpu.memory_space<semaphore_mem>>) src(%dma_wait3A_95 : memref<128xi32, #tpu.memory_space<hbm>>) dst(%arg17 : memref<128xi32, #tpu.memory_space<vmem>>)
        tpu.yield
      }) : () -> ()
      %dma_start3A_86 = arith.constant 0 : i32
      %dma_start3A_87 = arith.constant 0 : i32
      %dma_start3A_88 = tpu.memref_slice %arg3[%dma_start3A_86, %dma_start3A_87] : memref<20000x128xf32, #tpu.memory_space<hbm>> -> memref<20000x128xf32, #tpu.memory_space<hbm>>
      tpu.enqueue_indirect_dma source(%dma_start3A_88 : memref<20000x128xf32, #tpu.memory_space<hbm>>) target(%arg18 : memref<128x128xf32, #tpu.memory_space<vmem>>) offsets(%arg17 : memref<128xi32, #tpu.memory_space<vmem>>) semaphore(%arg20 : memref<!tpu.dma_semaphore, #tpu.memory_space<semaphore_mem>>)
      %dma_wait3A_89 = arith.constant 0 : i32
      %dma_wait3A_90 = arith.constant 0 : i32
      %dma_wait3A_91 = tpu.memref_slice %arg3[%dma_wait3A_89, %dma_wait3A_90] : memref<20000x128xf32, #tpu.memory_space<hbm>> -> memref<20000x128xf32, #tpu.memory_space<hbm>>
      tpu.wait_indirect_dma semaphore(%arg20 : memref<!tpu.dma_semaphore, #tpu.memory_space<semaphore_mem>>) src(%dma_wait3A_91 : memref<20000x128xf32, #tpu.memory_space<hbm>>) dst(%arg18 : memref<128x128xf32, #tpu.memory_space<vmem>>)
      "tpu.region"() ({
        %run_scoped3A = tpu.sem_alloc : memref<!tpu.dma_semaphore, #tpu.memory_space<semaphore_mem>>
        %dma_start3A_92 = arith.constant 0 : i32
        %dma_start3A_93 = arith.constant 0 : i32
        %dma_start3A_94 = tpu.memref_slice %arg19[%dma_start3A_92, %dma_start3A_93] : memref<10112x128xf32, #tpu.memory_space<vmem_shared>> -> memref<10112x128xf32, #tpu.memory_space<vmem_shared>>
        tpu.enqueue_indirect_dma source(%arg18 : memref<128x128xf32, #tpu.memory_space<vmem>>) target(%dma_start3A_94 : memref<10112x128xf32, #tpu.memory_space<vmem_shared>>) offsets(%arg16 : memref<128xi32, #tpu.memory_space<vmem>>) semaphore(%run_scoped3A : memref<!tpu.dma_semaphore, #tpu.memory_space<semaphore_mem>>) {add = true}
        %dma_wait3A_95 = arith.constant 0 : i32
        %dma_wait3A_96 = arith.constant 0 : i32
        %dma_wait3A_97 = tpu.memref_slice %arg19[%dma_wait3A_95, %dma_wait3A_96] : memref<10112x128xf32, #tpu.memory_space<vmem_shared>> -> memref<10112x128xf32, #tpu.memory_space<vmem_shared>>
        tpu.wait_indirect_dma semaphore(%run_scoped3A : memref<!tpu.dma_semaphore, #tpu.memory_space<semaphore_mem>>) src(%arg18 : memref<128x128xf32, #tpu.memory_space<vmem>>) dst(%dma_wait3A_97 : memref<10112x128xf32, #tpu.memory_space<vmem_shared>>)
        tpu.yield
      }) : () -> ()
    }
    %scan3A_47 = arith.constant 80 : i32
    %barrier3A_48 = arith.constant 0 : index
    tpu.barrier barrier_id(%barrier3A_48)
    %mul3A_49 = arith.constant 632 : i32
    %mul3A_50 = arith.muli %arg1, %mul3A_49 : i32
    %mul3A_51 = arith.constant 10112 : i32
    %mul3A_52 = arith.muli %arg0, %mul3A_51 : i32
    %mul3A_53 = arith.constant 632 : i32
    %mul3A_54 = arith.muli %arg1, %mul3A_53 : i32
    %add3A_55 = arith.addi %mul3A_52, %mul3A_54 : i32
    "tpu.region"() ({
      %run_scoped3A = tpu.sem_alloc : memref<!tpu.dma_semaphore, #tpu.memory_space<semaphore_mem>>
      %dma_start3A_77 = arith.constant 0 : i32
      %dma_start3A_78 = tpu.memref_slice %arg12[%add3A_55, %dma_start3A_77] : memref<20224x128xf32, #tpu.memory_space<hbm>> -> memref<632x128xf32, #tpu.memory_space<hbm>>
      %dma_start3A_79 = arith.constant 0 : i32
      %dma_start3A_80 = tpu.memref_slice %arg19[%mul3A_50, %dma_start3A_79] : memref<10112x128xf32, #tpu.memory_space<vmem_shared>> -> memref<632x128xf32, #tpu.memory_space<vmem_shared>>
      tpu.enqueue_dma source(%dma_start3A_80 : memref<632x128xf32, #tpu.memory_space<vmem_shared>>) target(%dma_start3A_78 : memref<632x128xf32, #tpu.memory_space<hbm>>) target_semaphore(%run_scoped3A : memref<!tpu.dma_semaphore, #tpu.memory_space<semaphore_mem>>)
      %dma_wait3A_81 = arith.constant 0 : i32
      %dma_wait3A_82 = tpu.memref_slice %arg12[%add3A_55, %dma_wait3A_81] : memref<20224x128xf32, #tpu.memory_space<hbm>> -> memref<632x128xf32, #tpu.memory_space<hbm>>
      %dma_wait3A_83 = arith.constant 0 : i32
      %dma_wait3A_84 = tpu.memref_slice %arg19[%mul3A_50, %dma_wait3A_83] : memref<10112x128xf32, #tpu.memory_space<vmem_shared>> -> memref<632x128xf32, #tpu.memory_space<vmem_shared>>
      tpu.wait_dma2 semaphore(%run_scoped3A : memref<!tpu.dma_semaphore, #tpu.memory_space<semaphore_mem>>) src(%dma_wait3A_84 : memref<632x128xf32, #tpu.memory_space<vmem_shared>>) dst(%dma_wait3A_82 : memref<632x128xf32, #tpu.memory_space<hbm>>)
      tpu.yield
    }) : () -> ()
    %barrier3A_56 = arith.constant 0 : index
    tpu.barrier barrier_id(%barrier3A_56)
    %mul3A_57 = arith.constant 632 : i32
    %mul3A_58 = arith.muli %arg1, %mul3A_57 : i32
    %mul3A_59 = arith.constant 632 : i32
    %mul3A_60 = arith.muli %arg1, %mul3A_59 : i32
    "tpu.region"() ({
      %run_scoped3A = tpu.sem_alloc : memref<!tpu.dma_semaphore, #tpu.memory_space<semaphore_mem>>
      %dma_start3A_77 = arith.constant 0 : i32
      %dma_start3A_78 = tpu.memref_slice %arg19[%mul3A_60, %dma_start3A_77] : memref<10112x128xf32, #tpu.memory_space<vmem_shared>> -> memref<632x128xf32, #tpu.memory_space<vmem_shared>>
      %dma_start3A_79 = arith.constant 0 : i32
      %dma_start3A_80 = tpu.memref_slice %arg10[%mul3A_58, %dma_start3A_79] : memref<10112x128xf32, #tpu.memory_space<hbm>> -> memref<632x128xf32, #tpu.memory_space<hbm>>
      tpu.enqueue_dma source(%dma_start3A_80 : memref<632x128xf32, #tpu.memory_space<hbm>>) target(%dma_start3A_78 : memref<632x128xf32, #tpu.memory_space<vmem_shared>>) target_semaphore(%run_scoped3A : memref<!tpu.dma_semaphore, #tpu.memory_space<semaphore_mem>>)
      %dma_wait3A_81 = arith.constant 0 : i32
      %dma_wait3A_82 = tpu.memref_slice %arg19[%mul3A_60, %dma_wait3A_81] : memref<10112x128xf32, #tpu.memory_space<vmem_shared>> -> memref<632x128xf32, #tpu.memory_space<vmem_shared>>
      %dma_wait3A_83 = arith.constant 0 : i32
      %dma_wait3A_84 = tpu.memref_slice %arg10[%mul3A_58, %dma_wait3A_83] : memref<10112x128xf32, #tpu.memory_space<hbm>> -> memref<632x128xf32, #tpu.memory_space<hbm>>
      tpu.wait_dma2 semaphore(%run_scoped3A : memref<!tpu.dma_semaphore, #tpu.memory_space<semaphore_mem>>) src(%dma_wait3A_84 : memref<632x128xf32, #tpu.memory_space<hbm>>) dst(%dma_wait3A_82 : memref<632x128xf32, #tpu.memory_space<vmem_shared>>)
      tpu.yield
    }) : () -> ()
    %barrier3A_61 = arith.constant 0 : index
    tpu.barrier barrier_id(%barrier3A_61)
    %scan3A_62 = arith.constant 0 : i32
    %scan3A_63 = arith.constant 0 : i32
    %scan3A_64 = arith.constant 80 : i32
    %scan3A_65 = arith.addi %scan3A_63, %scan3A_64 : i32
    %scan3A_66 = arith.constant 1 : i32
    scf.for %scan3A_77 = %scan3A_63 to %scan3A_65 step %scan3A_66  : i32 {
      %mul3A_78 = arith.constant 10240 : i32
      %mul3A_79 = arith.muli %arg1, %mul3A_78 : i32
      %mul3A_80 = arith.constant 128 : i32
      %mul3A_81 = arith.muli %scan3A_77, %mul3A_80 : i32
      %add3A_82 = arith.addi %mul3A_79, %mul3A_81 : i32
      "tpu.region"() ({
        %run_scoped3A = tpu.sem_alloc : memref<!tpu.dma_semaphore, #tpu.memory_space<semaphore_mem>>
        %dma_start3A_92 = tpu.memref_slice %arg7[%add3A_82] : memref<163840xi32, #tpu.memory_space<hbm>> -> memref<128xi32, #tpu.memory_space<hbm>>
        %dma_start3A_93 = tpu.memref_slice %arg7[%add3A_82] : memref<163840xi32, #tpu.memory_space<hbm>> -> memref<128xi32, #tpu.memory_space<hbm>>
        tpu.enqueue_dma source(%dma_start3A_93 : memref<128xi32, #tpu.memory_space<hbm>>) target(%arg16 : memref<128xi32, #tpu.memory_space<vmem>>) target_semaphore(%run_scoped3A : memref<!tpu.dma_semaphore, #tpu.memory_space<semaphore_mem>>)
        %dma_wait3A_94 = tpu.memref_slice %arg7[%add3A_82] : memref<163840xi32, #tpu.memory_space<hbm>> -> memref<128xi32, #tpu.memory_space<hbm>>
        %dma_wait3A_95 = tpu.memref_slice %arg7[%add3A_82] : memref<163840xi32, #tpu.memory_space<hbm>> -> memref<128xi32, #tpu.memory_space<hbm>>
        tpu.wait_dma2 semaphore(%run_scoped3A : memref<!tpu.dma_semaphore, #tpu.memory_space<semaphore_mem>>) src(%dma_wait3A_95 : memref<128xi32, #tpu.memory_space<hbm>>) dst(%arg16 : memref<128xi32, #tpu.memory_space<vmem>>)
        tpu.yield
      }) : () -> ()
      %mul3A_83 = arith.constant 163840 : i32
      %mul3A_84 = arith.muli %arg0, %mul3A_83 : i32
      %add3A_85 = arith.addi %mul3A_84, %add3A_82 : i32
      "tpu.region"() ({
        %run_scoped3A = tpu.sem_alloc : memref<!tpu.dma_semaphore, #tpu.memory_space<semaphore_mem>>
        %dma_start3A_92 = tpu.memref_slice %arg8[%add3A_85] : memref<327680xi32, #tpu.memory_space<hbm>> -> memref<128xi32, #tpu.memory_space<hbm>>
        %dma_start3A_93 = tpu.memref_slice %arg8[%add3A_85] : memref<327680xi32, #tpu.memory_space<hbm>> -> memref<128xi32, #tpu.memory_space<hbm>>
        tpu.enqueue_dma source(%dma_start3A_93 : memref<128xi32, #tpu.memory_space<hbm>>) target(%arg17 : memref<128xi32, #tpu.memory_space<vmem>>) target_semaphore(%run_scoped3A : memref<!tpu.dma_semaphore, #tpu.memory_space<semaphore_mem>>)
        %dma_wait3A_94 = tpu.memref_slice %arg8[%add3A_85] : memref<327680xi32, #tpu.memory_space<hbm>> -> memref<128xi32, #tpu.memory_space<hbm>>
        %dma_wait3A_95 = tpu.memref_slice %arg8[%add3A_85] : memref<327680xi32, #tpu.memory_space<hbm>> -> memref<128xi32, #tpu.memory_space<hbm>>
        tpu.wait_dma2 semaphore(%run_scoped3A : memref<!tpu.dma_semaphore, #tpu.memory_space<semaphore_mem>>) src(%dma_wait3A_95 : memref<128xi32, #tpu.memory_space<hbm>>) dst(%arg17 : memref<128xi32, #tpu.memory_space<vmem>>)
        tpu.yield
      }) : () -> ()
      %dma_start3A_86 = arith.constant 0 : i32
      %dma_start3A_87 = arith.constant 0 : i32
      %dma_start3A_88 = tpu.memref_slice %arg4[%dma_start3A_86, %dma_start3A_87] : memref<100000x128xf32, #tpu.memory_space<hbm>> -> memref<100000x128xf32, #tpu.memory_space<hbm>>
      tpu.enqueue_indirect_dma source(%dma_start3A_88 : memref<100000x128xf32, #tpu.memory_space<hbm>>) target(%arg18 : memref<128x128xf32, #tpu.memory_space<vmem>>) offsets(%arg17 : memref<128xi32, #tpu.memory_space<vmem>>) semaphore(%arg20 : memref<!tpu.dma_semaphore, #tpu.memory_space<semaphore_mem>>)
      %dma_wait3A_89 = arith.constant 0 : i32
      %dma_wait3A_90 = arith.constant 0 : i32
      %dma_wait3A_91 = tpu.memref_slice %arg4[%dma_wait3A_89, %dma_wait3A_90] : memref<100000x128xf32, #tpu.memory_space<hbm>> -> memref<100000x128xf32, #tpu.memory_space<hbm>>
      tpu.wait_indirect_dma semaphore(%arg20 : memref<!tpu.dma_semaphore, #tpu.memory_space<semaphore_mem>>) src(%dma_wait3A_91 : memref<100000x128xf32, #tpu.memory_space<hbm>>) dst(%arg18 : memref<128x128xf32, #tpu.memory_space<vmem>>)
      "tpu.region"() ({
        %run_scoped3A = tpu.sem_alloc : memref<!tpu.dma_semaphore, #tpu.memory_space<semaphore_mem>>
        %dma_start3A_92 = arith.constant 0 : i32
        %dma_start3A_93 = arith.constant 0 : i32
        %dma_start3A_94 = tpu.memref_slice %arg19[%dma_start3A_92, %dma_start3A_93] : memref<10112x128xf32, #tpu.memory_space<vmem_shared>> -> memref<10112x128xf32, #tpu.memory_space<vmem_shared>>
        tpu.enqueue_indirect_dma source(%arg18 : memref<128x128xf32, #tpu.memory_space<vmem>>) target(%dma_start3A_94 : memref<10112x128xf32, #tpu.memory_space<vmem_shared>>) offsets(%arg16 : memref<128xi32, #tpu.memory_space<vmem>>) semaphore(%run_scoped3A : memref<!tpu.dma_semaphore, #tpu.memory_space<semaphore_mem>>) {add = true}
        %dma_wait3A_95 = arith.constant 0 : i32
        %dma_wait3A_96 = arith.constant 0 : i32
        %dma_wait3A_97 = tpu.memref_slice %arg19[%dma_wait3A_95, %dma_wait3A_96] : memref<10112x128xf32, #tpu.memory_space<vmem_shared>> -> memref<10112x128xf32, #tpu.memory_space<vmem_shared>>
        tpu.wait_indirect_dma semaphore(%run_scoped3A : memref<!tpu.dma_semaphore, #tpu.memory_space<semaphore_mem>>) src(%arg18 : memref<128x128xf32, #tpu.memory_space<vmem>>) dst(%dma_wait3A_97 : memref<10112x128xf32, #tpu.memory_space<vmem_shared>>)
        tpu.yield
      }) : () -> ()
    }
    %scan3A_67 = arith.constant 80 : i32
    %barrier3A_68 = arith.constant 0 : index
    tpu.barrier barrier_id(%barrier3A_68)
    %mul3A_69 = arith.constant 632 : i32
    %mul3A_70 = arith.muli %arg1, %mul3A_69 : i32
    %mul3A_71 = arith.constant 10112 : i32
    %mul3A_72 = arith.muli %arg0, %mul3A_71 : i32
    %mul3A_73 = arith.constant 632 : i32
    %mul3A_74 = arith.muli %arg1, %mul3A_73 : i32
    %add3A_75 = arith.addi %mul3A_72, %mul3A_74 : i32
    "tpu.region"() ({
      %run_scoped3A = tpu.sem_alloc : memref<!tpu.dma_semaphore, #tpu.memory_space<semaphore_mem>>
      %dma_start3A_77 = arith.constant 0 : i32
      %dma_start3A_78 = tpu.memref_slice %arg13[%add3A_75, %dma_start3A_77] : memref<20224x128xf32, #tpu.memory_space<hbm>> -> memref<632x128xf32, #tpu.memory_space<hbm>>
      %dma_start3A_79 = arith.constant 0 : i32
      %dma_start3A_80 = tpu.memref_slice %arg19[%mul3A_70, %dma_start3A_79] : memref<10112x128xf32, #tpu.memory_space<vmem_shared>> -> memref<632x128xf32, #tpu.memory_space<vmem_shared>>
      tpu.enqueue_dma source(%dma_start3A_80 : memref<632x128xf32, #tpu.memory_space<vmem_shared>>) target(%dma_start3A_78 : memref<632x128xf32, #tpu.memory_space<hbm>>) target_semaphore(%run_scoped3A : memref<!tpu.dma_semaphore, #tpu.memory_space<semaphore_mem>>)
      %dma_wait3A_81 = arith.constant 0 : i32
      %dma_wait3A_82 = tpu.memref_slice %arg13[%add3A_75, %dma_wait3A_81] : memref<20224x128xf32, #tpu.memory_space<hbm>> -> memref<632x128xf32, #tpu.memory_space<hbm>>
      %dma_wait3A_83 = arith.constant 0 : i32
      %dma_wait3A_84 = tpu.memref_slice %arg19[%mul3A_70, %dma_wait3A_83] : memref<10112x128xf32, #tpu.memory_space<vmem_shared>> -> memref<632x128xf32, #tpu.memory_space<vmem_shared>>
      tpu.wait_dma2 semaphore(%run_scoped3A : memref<!tpu.dma_semaphore, #tpu.memory_space<semaphore_mem>>) src(%dma_wait3A_84 : memref<632x128xf32, #tpu.memory_space<vmem_shared>>) dst(%dma_wait3A_82 : memref<632x128xf32, #tpu.memory_space<hbm>>)
      tpu.yield
    }) : () -> ()
    %barrier3A_76 = arith.constant 0 : index
    tpu.barrier barrier_id(%barrier3A_76)
    return
  }
}

module attributes {stable_mosaic.version = 14 : i64} {
  func.func @_mlp_full_body(%arg0: i32, %arg1: memref<1000x256xf32, #tpu.memory_space<vmem>>, %arg2: memref<256x512xf32, #tpu.memory_space<vmem>>, %arg3: memref<1x512xf32, #tpu.memory_space<vmem>>, %arg4: memref<512x512xf32, #tpu.memory_space<vmem>>, %arg5: memref<1x512xf32, #tpu.memory_space<vmem>>, %arg6: memref<512x256xf32, #tpu.memory_space<vmem>>, %arg7: memref<1x256xf32, #tpu.memory_space<vmem>>, %arg8: memref<1000x256xf32, #tpu.memory_space<vmem>>) attributes {dimension_semantics = [#tpu.dimension_semantics<arbitrary>], iteration_bounds = array<i64: 10>, scalar_prefetch = 0 : i64, scratch_operands = 0 : i64, tpu.core_type = #tpu.core_type<tc>, window_params = [{transform_indices = @transform_0, window_bounds = array<i64: 1000, 256>}, {pipeline_mode = #tpu.pipeline_mode<synchronous>, transform_indices = @transform_1, window_bounds = array<i64: 256, 512>}, {pipeline_mode = #tpu.pipeline_mode<synchronous>, transform_indices = @transform_2, window_bounds = array<i64: 1, 512>}, {pipeline_mode = #tpu.pipeline_mode<synchronous>, transform_indices = @transform_3, window_bounds = array<i64: 512, 512>}, {pipeline_mode = #tpu.pipeline_mode<synchronous>, transform_indices = @transform_4, window_bounds = array<i64: 1, 512>}, {pipeline_mode = #tpu.pipeline_mode<synchronous>, transform_indices = @transform_5, window_bounds = array<i64: 512, 256>}, {pipeline_mode = #tpu.pipeline_mode<synchronous>, transform_indices = @transform_6, window_bounds = array<i64: 1, 256>}, {transform_indices = @transform_7, window_bounds = array<i64: 1000, 256>}]} {
    %get3A = arith.constant 0 : index
    %get3A_0 = arith.constant 0 : index
    %get3A_1 = vector.load %arg1[%get3A, %get3A_0] : memref<1000x256xf32, #tpu.memory_space<vmem>>, vector<1000x256xf32>
    %get3A_2 = arith.constant 0 : index
    %get3A_3 = arith.constant 0 : index
    %get3A_4 = vector.load %arg2[%get3A_2, %get3A_3] : memref<256x512xf32, #tpu.memory_space<vmem>>, vector<256x512xf32>
    %dot_general3A = arith.constant dense<0.000000e+00> : vector<1000x512xf32>
    %dot_general3A_5 = tpu.matmul %get3A_1, %get3A_4, %dot_general3A {dimension_numbers = #tpu.dot_dimension_numbers<[1], [0], [0], [1], [0, 0, 1, 1], [], []>, transpose_lhs_hint = false} : vector<1000x256xf32>, vector<256x512xf32>, vector<1000x512xf32> -> vector<1000x512xf32>
    %get3A_6 = arith.constant 0 : index
    %get3A_7 = arith.constant 0 : index
    %get3A_8 = vector.load %arg3[%get3A_6, %get3A_7] : memref<1x512xf32, #tpu.memory_space<vmem>>, vector<1x512xf32>
    %add3A = vector.broadcast %get3A_8 : vector<1x512xf32> to vector<1000x512xf32>
    %add3A_9 = arith.addf %dot_general3A_5, %add3A : vector<1000x512xf32>
    %gt3A = arith.constant 0.000000e+00 : f32
    %gt3A_10 = vector.broadcast %gt3A : f32 to vector<1000x512xf32>
    %gt3A_11 = arith.cmpf ogt, %add3A_9, %gt3A_10 : vector<1000x512xf32>
    %min3A = arith.constant 0.000000e+00 : f32
    %min3A_12 = vector.broadcast %min3A : f32 to vector<1000x512xf32>
    %min3A_13 = arith.minimumf %add3A_9, %min3A_12 : vector<1000x512xf32>
    %exp3A = math.exp %min3A_13 : vector<1000x512xf32>
    %sub3A = arith.constant 1.000000e+00 : f32
    %sub3A_14 = vector.broadcast %sub3A : f32 to vector<1000x512xf32>
    %sub3A_15 = arith.subf %exp3A, %sub3A_14 : vector<1000x512xf32>
    %select_n3A = arith.select %gt3A_11, %add3A_9, %sub3A_15 : vector<1000x512xi1>, vector<1000x512xf32>
    %get3A_16 = arith.constant 0 : index
    %get3A_17 = arith.constant 0 : index
    %get3A_18 = vector.load %arg4[%get3A_16, %get3A_17] : memref<512x512xf32, #tpu.memory_space<vmem>>, vector<512x512xf32>
    %dot_general3A_19 = arith.constant dense<0.000000e+00> : vector<1000x512xf32>
    %dot_general3A_20 = tpu.matmul %select_n3A, %get3A_18, %dot_general3A_19 {dimension_numbers = #tpu.dot_dimension_numbers<[1], [0], [0], [1], [0, 0, 1, 1], [], []>, transpose_lhs_hint = false} : vector<1000x512xf32>, vector<512x512xf32>, vector<1000x512xf32> -> vector<1000x512xf32>
    %get3A_21 = arith.constant 0 : index
    %get3A_22 = arith.constant 0 : index
    %get3A_23 = vector.load %arg5[%get3A_21, %get3A_22] : memref<1x512xf32, #tpu.memory_space<vmem>>, vector<1x512xf32>
    %add3A_24 = vector.broadcast %get3A_23 : vector<1x512xf32> to vector<1000x512xf32>
    %add3A_25 = arith.addf %dot_general3A_20, %add3A_24 : vector<1000x512xf32>
    %gt3A_26 = arith.constant 0.000000e+00 : f32
    %gt3A_27 = vector.broadcast %gt3A_26 : f32 to vector<1000x512xf32>
    %gt3A_28 = arith.cmpf ogt, %add3A_25, %gt3A_27 : vector<1000x512xf32>
    %min3A_29 = arith.constant 0.000000e+00 : f32
    %min3A_30 = vector.broadcast %min3A_29 : f32 to vector<1000x512xf32>
    %min3A_31 = arith.minimumf %add3A_25, %min3A_30 : vector<1000x512xf32>
    %exp3A_32 = math.exp %min3A_31 : vector<1000x512xf32>
    %sub3A_33 = arith.constant 1.000000e+00 : f32
    %sub3A_34 = vector.broadcast %sub3A_33 : f32 to vector<1000x512xf32>
    %sub3A_35 = arith.subf %exp3A_32, %sub3A_34 : vector<1000x512xf32>
    %select_n3A_36 = arith.select %gt3A_28, %add3A_25, %sub3A_35 : vector<1000x512xi1>, vector<1000x512xf32>
    %get3A_37 = arith.constant 0 : index
    %get3A_38 = arith.constant 0 : index
    %get3A_39 = vector.load %arg6[%get3A_37, %get3A_38] : memref<512x256xf32, #tpu.memory_space<vmem>>, vector<512x256xf32>
    %dot_general3A_40 = arith.constant dense<0.000000e+00> : vector<1000x256xf32>
    %dot_general3A_41 = tpu.matmul %select_n3A_36, %get3A_39, %dot_general3A_40 {dimension_numbers = #tpu.dot_dimension_numbers<[1], [0], [0], [1], [0, 0, 1, 1], [], []>, transpose_lhs_hint = false} : vector<1000x512xf32>, vector<512x256xf32>, vector<1000x256xf32> -> vector<1000x256xf32>
    %get3A_42 = arith.constant 0 : index
    %get3A_43 = arith.constant 0 : index
    %get3A_44 = vector.load %arg7[%get3A_42, %get3A_43] : memref<1x256xf32, #tpu.memory_space<vmem>>, vector<1x256xf32>
    %add3A_45 = vector.broadcast %get3A_44 : vector<1x256xf32> to vector<1000x256xf32>
    %add3A_46 = arith.addf %dot_general3A_41, %add3A_45 : vector<1000x256xf32>
    %swap3A = arith.constant 0 : index
    %swap3A_47 = arith.constant 0 : index
    %swap3A_48 = vector.load %arg8[%swap3A, %swap3A_47] : memref<1000x256xf32, #tpu.memory_space<vmem>>, vector<1000x256xf32>
    tpu.vector_store %arg8[%swap3A, %swap3A_47], %add3A_46 {strides = array<i32>} : memref<1000x256xf32, #tpu.memory_space<vmem>>, vector<1000x256xf32>,
    return
  }
  func.func @transform_0(%arg0: i32) -> (i32, i32) {
    %c0_i32 = arith.constant 0 : i32
    %c0_i32_0 = arith.constant 0 : i32
    return %arg0, %c0_i32 : i32, i32
  }
  func.func @transform_1(%arg0: i32) -> (i32, i32) {
    %c0_i32 = arith.constant 0 : i32
    %c0_i32_0 = arith.constant 0 : i32
    %c0_i32_1 = arith.constant 0 : i32
    return %c0_i32, %c0_i32_0 : i32, i32
  }
  func.func @transform_2(%arg0: i32) -> (i32, i32) {
    %c0_i32 = arith.constant 0 : i32
    %c0_i32_0 = arith.constant 0 : i32
    %c0_i32_1 = arith.constant 0 : i32
    return %c0_i32, %c0_i32_0 : i32, i32
  }
  func.func @transform_3(%arg0: i32) -> (i32, i32) {
    %c0_i32 = arith.constant 0 : i32
    %c0_i32_0 = arith.constant 0 : i32
    %c0_i32_1 = arith.constant 0 : i32
    return %c0_i32, %c0_i32_0 : i32, i32
  }
  func.func @transform_4(%arg0: i32) -> (i32, i32) {
    %c0_i32 = arith.constant 0 : i32
    %c0_i32_0 = arith.constant 0 : i32
    %c0_i32_1 = arith.constant 0 : i32
    return %c0_i32, %c0_i32_0 : i32, i32
  }
  func.func @transform_5(%arg0: i32) -> (i32, i32) {
    %c0_i32 = arith.constant 0 : i32
    %c0_i32_0 = arith.constant 0 : i32
    %c0_i32_1 = arith.constant 0 : i32
    return %c0_i32, %c0_i32_0 : i32, i32
  }
  func.func @transform_6(%arg0: i32) -> (i32, i32) {
    %c0_i32 = arith.constant 0 : i32
    %c0_i32_0 = arith.constant 0 : i32
    %c0_i32_1 = arith.constant 0 : i32
    return %c0_i32, %c0_i32_0 : i32, i32
  }
  func.func @transform_7(%arg0: i32) -> (i32, i32) {
    %c0_i32 = arith.constant 0 : i32
    %c0_i32_0 = arith.constant 0 : i32
    return %arg0, %c0_i32 : i32, i32
  }
}

module attributes {stable_mosaic.version = 14 : i64} {
  func.func @_mlp_split_body(%arg0: i32, %arg1: memref<1000x128xf32, #tpu.memory_space<vmem>>, %arg2: memref<1000x128xf32, #tpu.memory_space<vmem>>, %arg3: memref<128x512xf32, #tpu.memory_space<vmem>>, %arg4: memref<128x512xf32, #tpu.memory_space<vmem>>, %arg5: memref<1x512xf32, #tpu.memory_space<vmem>>, %arg6: memref<512x512xf32, #tpu.memory_space<vmem>>, %arg7: memref<1x512xf32, #tpu.memory_space<vmem>>, %arg8: memref<512x256xf32, #tpu.memory_space<vmem>>, %arg9: memref<1x256xf32, #tpu.memory_space<vmem>>, %arg10: memref<1000x256xf32, #tpu.memory_space<vmem>>) attributes {dimension_semantics = [#tpu.dimension_semantics<arbitrary>], iteration_bounds = array<i64: 10>, scalar_prefetch = 0 : i64, scratch_operands = 0 : i64, tpu.core_type = #tpu.core_type<tc>, window_params = [{transform_indices = @transform_0, window_bounds = array<i64: 1000, 128>}, {transform_indices = @transform_1, window_bounds = array<i64: 1000, 128>}, {pipeline_mode = #tpu.pipeline_mode<synchronous>, transform_indices = @transform_2, window_bounds = array<i64: 128, 512>}, {pipeline_mode = #tpu.pipeline_mode<synchronous>, transform_indices = @transform_3, window_bounds = array<i64: 128, 512>}, {pipeline_mode = #tpu.pipeline_mode<synchronous>, transform_indices = @transform_4, window_bounds = array<i64: 1, 512>}, {pipeline_mode = #tpu.pipeline_mode<synchronous>, transform_indices = @transform_5, window_bounds = array<i64: 512, 512>}, {pipeline_mode = #tpu.pipeline_mode<synchronous>, transform_indices = @transform_6, window_bounds = array<i64: 1, 512>}, {pipeline_mode = #tpu.pipeline_mode<synchronous>, transform_indices = @transform_7, window_bounds = array<i64: 512, 256>}, {pipeline_mode = #tpu.pipeline_mode<synchronous>, transform_indices = @transform_8, window_bounds = array<i64: 1, 256>}, {transform_indices = @transform_9, window_bounds = array<i64: 1000, 256>}]} {
    %get3A = arith.constant 0 : index
    %get3A_0 = arith.constant 0 : index
    %get3A_1 = vector.load %arg1[%get3A, %get3A_0] : memref<1000x128xf32, #tpu.memory_space<vmem>>, vector<1000x128xf32>
    %get3A_2 = arith.constant 0 : index
    %get3A_3 = arith.constant 0 : index
    %get3A_4 = vector.load %arg3[%get3A_2, %get3A_3] : memref<128x512xf32, #tpu.memory_space<vmem>>, vector<128x512xf32>
    %dot_general3A = arith.constant dense<0.000000e+00> : vector<1000x512xf32>
    %dot_general3A_5 = tpu.matmul %get3A_1, %get3A_4, %dot_general3A {dimension_numbers = #tpu.dot_dimension_numbers<[1], [0], [0], [1], [0, 0, 1, 1], [], []>, transpose_lhs_hint = false} : vector<1000x128xf32>, vector<128x512xf32>, vector<1000x512xf32> -> vector<1000x512xf32>
    %get3A_6 = arith.constant 0 : index
    %get3A_7 = arith.constant 0 : index
    %get3A_8 = vector.load %arg2[%get3A_6, %get3A_7] : memref<1000x128xf32, #tpu.memory_space<vmem>>, vector<1000x128xf32>
    %get3A_9 = arith.constant 0 : index
    %get3A_10 = arith.constant 0 : index
    %get3A_11 = vector.load %arg4[%get3A_9, %get3A_10] : memref<128x512xf32, #tpu.memory_space<vmem>>, vector<128x512xf32>
    %dot_general3A_12 = arith.constant dense<0.000000e+00> : vector<1000x512xf32>
    %dot_general3A_13 = tpu.matmul %get3A_8, %get3A_11, %dot_general3A_12 {dimension_numbers = #tpu.dot_dimension_numbers<[1], [0], [0], [1], [0, 0, 1, 1], [], []>, transpose_lhs_hint = false} : vector<1000x128xf32>, vector<128x512xf32>, vector<1000x512xf32> -> vector<1000x512xf32>
    %add3A = arith.addf %dot_general3A_5, %dot_general3A_13 : vector<1000x512xf32>
    %get3A_14 = arith.constant 0 : index
    %get3A_15 = arith.constant 0 : index
    %get3A_16 = vector.load %arg5[%get3A_14, %get3A_15] : memref<1x512xf32, #tpu.memory_space<vmem>>, vector<1x512xf32>
    %add3A_17 = vector.broadcast %get3A_16 : vector<1x512xf32> to vector<1000x512xf32>
    %add3A_18 = arith.addf %add3A, %add3A_17 : vector<1000x512xf32>
    %gt3A = arith.constant 0.000000e+00 : f32
    %gt3A_19 = vector.broadcast %gt3A : f32 to vector<1000x512xf32>
    %gt3A_20 = arith.cmpf ogt, %add3A_18, %gt3A_19 : vector<1000x512xf32>
    %min3A = arith.constant 0.000000e+00 : f32
    %min3A_21 = vector.broadcast %min3A : f32 to vector<1000x512xf32>
    %min3A_22 = arith.minimumf %add3A_18, %min3A_21 : vector<1000x512xf32>
    %exp3A = math.exp %min3A_22 : vector<1000x512xf32>
    %sub3A = arith.constant 1.000000e+00 : f32
    %sub3A_23 = vector.broadcast %sub3A : f32 to vector<1000x512xf32>
    %sub3A_24 = arith.subf %exp3A, %sub3A_23 : vector<1000x512xf32>
    %select_n3A = arith.select %gt3A_20, %add3A_18, %sub3A_24 : vector<1000x512xi1>, vector<1000x512xf32>
    %get3A_25 = arith.constant 0 : index
    %get3A_26 = arith.constant 0 : index
    %get3A_27 = vector.load %arg6[%get3A_25, %get3A_26] : memref<512x512xf32, #tpu.memory_space<vmem>>, vector<512x512xf32>
    %dot_general3A_28 = arith.constant dense<0.000000e+00> : vector<1000x512xf32>
    %dot_general3A_29 = tpu.matmul %select_n3A, %get3A_27, %dot_general3A_28 {dimension_numbers = #tpu.dot_dimension_numbers<[1], [0], [0], [1], [0, 0, 1, 1], [], []>, transpose_lhs_hint = false} : vector<1000x512xf32>, vector<512x512xf32>, vector<1000x512xf32> -> vector<1000x512xf32>
    %get3A_30 = arith.constant 0 : index
    %get3A_31 = arith.constant 0 : index
    %get3A_32 = vector.load %arg7[%get3A_30, %get3A_31] : memref<1x512xf32, #tpu.memory_space<vmem>>, vector<1x512xf32>
    %add3A_33 = vector.broadcast %get3A_32 : vector<1x512xf32> to vector<1000x512xf32>
    %add3A_34 = arith.addf %dot_general3A_29, %add3A_33 : vector<1000x512xf32>
    %gt3A_35 = arith.constant 0.000000e+00 : f32
    %gt3A_36 = vector.broadcast %gt3A_35 : f32 to vector<1000x512xf32>
    %gt3A_37 = arith.cmpf ogt, %add3A_34, %gt3A_36 : vector<1000x512xf32>
    %min3A_38 = arith.constant 0.000000e+00 : f32
    %min3A_39 = vector.broadcast %min3A_38 : f32 to vector<1000x512xf32>
    %min3A_40 = arith.minimumf %add3A_34, %min3A_39 : vector<1000x512xf32>
    %exp3A_41 = math.exp %min3A_40 : vector<1000x512xf32>
    %sub3A_42 = arith.constant 1.000000e+00 : f32
    %sub3A_43 = vector.broadcast %sub3A_42 : f32 to vector<1000x512xf32>
    %sub3A_44 = arith.subf %exp3A_41, %sub3A_43 : vector<1000x512xf32>
    %select_n3A_45 = arith.select %gt3A_37, %add3A_34, %sub3A_44 : vector<1000x512xi1>, vector<1000x512xf32>
    %get3A_46 = arith.constant 0 : index
    %get3A_47 = arith.constant 0 : index
    %get3A_48 = vector.load %arg8[%get3A_46, %get3A_47] : memref<512x256xf32, #tpu.memory_space<vmem>>, vector<512x256xf32>
    %dot_general3A_49 = arith.constant dense<0.000000e+00> : vector<1000x256xf32>
    %dot_general3A_50 = tpu.matmul %select_n3A_45, %get3A_48, %dot_general3A_49 {dimension_numbers = #tpu.dot_dimension_numbers<[1], [0], [0], [1], [0, 0, 1, 1], [], []>, transpose_lhs_hint = false} : vector<1000x512xf32>, vector<512x256xf32>, vector<1000x256xf32> -> vector<1000x256xf32>
    %get3A_51 = arith.constant 0 : index
    %get3A_52 = arith.constant 0 : index
    %get3A_53 = vector.load %arg9[%get3A_51, %get3A_52] : memref<1x256xf32, #tpu.memory_space<vmem>>, vector<1x256xf32>
    %add3A_54 = vector.broadcast %get3A_53 : vector<1x256xf32> to vector<1000x256xf32>
    %add3A_55 = arith.addf %dot_general3A_50, %add3A_54 : vector<1000x256xf32>
    %swap3A = arith.constant 0 : index
    %swap3A_56 = arith.constant 0 : index
    %swap3A_57 = vector.load %arg10[%swap3A, %swap3A_56] : memref<1000x256xf32, #tpu.memory_space<vmem>>, vector<1000x256xf32>
    tpu.vector_store %arg10[%swap3A, %swap3A_56], %add3A_55 {strides = array<i32>} : memref<1000x256xf32, #tpu.memory_space<vmem>>, vector<1000x256xf32>,
    return
  }
  func.func @transform_0(%arg0: i32) -> (i32, i32) {
    %c0_i32 = arith.constant 0 : i32
    %c0_i32_0 = arith.constant 0 : i32
    return %arg0, %c0_i32 : i32, i32
  }
  func.func @transform_1(%arg0: i32) -> (i32, i32) {
    %c0_i32 = arith.constant 0 : i32
    %c0_i32_0 = arith.constant 0 : i32
    return %arg0, %c0_i32 : i32, i32
  }
  func.func @transform_2(%arg0: i32) -> (i32, i32) {
    %c0_i32 = arith.constant 0 : i32
    %c0_i32_0 = arith.constant 0 : i32
    %c0_i32_1 = arith.constant 0 : i32
    return %c0_i32, %c0_i32_0 : i32, i32
  }
  func.func @transform_3(%arg0: i32) -> (i32, i32) {
    %c0_i32 = arith.constant 0 : i32
    %c0_i32_0 = arith.constant 0 : i32
    %c0_i32_1 = arith.constant 0 : i32
    return %c0_i32, %c0_i32_0 : i32, i32
  }
  func.func @transform_4(%arg0: i32) -> (i32, i32) {
    %c0_i32 = arith.constant 0 : i32
    %c0_i32_0 = arith.constant 0 : i32
    %c0_i32_1 = arith.constant 0 : i32
    return %c0_i32, %c0_i32_0 : i32, i32
  }
  func.func @transform_5(%arg0: i32) -> (i32, i32) {
    %c0_i32 = arith.constant 0 : i32
    %c0_i32_0 = arith.constant 0 : i32
    %c0_i32_1 = arith.constant 0 : i32
    return %c0_i32, %c0_i32_0 : i32, i32
  }
  func.func @transform_6(%arg0: i32) -> (i32, i32) {
    %c0_i32 = arith.constant 0 : i32
    %c0_i32_0 = arith.constant 0 : i32
    %c0_i32_1 = arith.constant 0 : i32
    return %c0_i32, %c0_i32_0 : i32, i32
  }
  func.func @transform_7(%arg0: i32) -> (i32, i32) {
    %c0_i32 = arith.constant 0 : i32
    %c0_i32_0 = arith.constant 0 : i32
    %c0_i32_1 = arith.constant 0 : i32
    return %c0_i32, %c0_i32_0 : i32, i32
  }
  func.func @transform_8(%arg0: i32) -> (i32, i32) {
    %c0_i32 = arith.constant 0 : i32
    %c0_i32_0 = arith.constant 0 : i32
    %c0_i32_1 = arith.constant 0 : i32
    return %c0_i32, %c0_i32_0 : i32, i32
  }
  func.func @transform_9(%arg0: i32) -> (i32, i32) {
    %c0_i32 = arith.constant 0 : i32
    %c0_i32_0 = arith.constant 0 : i32
    return %arg0, %c0_i32 : i32, i32
  }
}

module attributes {stable_mosaic.version = 14 : i64} {
  func.func @_combined_body(%arg0: i32, %arg1: memref<1000x256xf32, #tpu.memory_space<vmem>>, %arg2: memref<1000x256xf32, #tpu.memory_space<vmem>>, %arg3: memref<1000x256xf32, #tpu.memory_space<vmem>>, %arg4: memref<1000x256xf32, #tpu.memory_space<vmem>>, %arg5: memref<256x512xf32, #tpu.memory_space<vmem>>, %arg6: memref<256x512xf32, #tpu.memory_space<vmem>>, %arg7: memref<256x512xf32, #tpu.memory_space<vmem>>, %arg8: memref<256x512xf32, #tpu.memory_space<vmem>>, %arg9: memref<1x512xf32, #tpu.memory_space<vmem>>, %arg10: memref<512x512xf32, #tpu.memory_space<vmem>>, %arg11: memref<1x512xf32, #tpu.memory_space<vmem>>, %arg12: memref<512x256xf32, #tpu.memory_space<vmem>>, %arg13: memref<1x256xf32, #tpu.memory_space<vmem>>, %arg14: memref<1000x256xf32, #tpu.memory_space<vmem>>) attributes {dimension_semantics = [#tpu.dimension_semantics<arbitrary>], iteration_bounds = array<i64: 10>, scalar_prefetch = 0 : i64, scratch_operands = 0 : i64, tpu.core_type = #tpu.core_type<tc>, window_params = [{transform_indices = @transform_0, window_bounds = array<i64: 1000, 256>}, {transform_indices = @transform_1, window_bounds = array<i64: 1000, 256>}, {transform_indices = @transform_2, window_bounds = array<i64: 1000, 256>}, {transform_indices = @transform_3, window_bounds = array<i64: 1000, 256>}, {pipeline_mode = #tpu.pipeline_mode<synchronous>, transform_indices = @transform_4, window_bounds = array<i64: 256, 512>}, {pipeline_mode = #tpu.pipeline_mode<synchronous>, transform_indices = @transform_5, window_bounds = array<i64: 256, 512>}, {pipeline_mode = #tpu.pipeline_mode<synchronous>, transform_indices = @transform_6, window_bounds = array<i64: 256, 512>}, {pipeline_mode = #tpu.pipeline_mode<synchronous>, transform_indices = @transform_7, window_bounds = array<i64: 256, 512>}, {pipeline_mode = #tpu.pipeline_mode<synchronous>, transform_indices = @transform_8, window_bounds = array<i64: 1, 512>}, {pipeline_mode = #tpu.pipeline_mode<synchronous>, transform_indices = @transform_9, window_bounds = array<i64: 512, 512>}, {pipeline_mode = #tpu.pipeline_mode<synchronous>, transform_indices = @transform_10, window_bounds = array<i64: 1, 512>}, {pipeline_mode = #tpu.pipeline_mode<synchronous>, transform_indices = @transform_11, window_bounds = array<i64: 512, 256>}, {pipeline_mode = #tpu.pipeline_mode<synchronous>, transform_indices = @transform_12, window_bounds = array<i64: 1, 256>}, {transform_indices = @transform_13, window_bounds = array<i64: 1000, 256>}]} {
    %get3A = arith.constant 0 : index
    %get3A_0 = arith.constant 0 : index
    %get3A_1 = vector.load %arg1[%get3A, %get3A_0] : memref<1000x256xf32, #tpu.memory_space<vmem>>, vector<1000x256xf32>
    %get3A_2 = arith.constant 0 : index
    %get3A_3 = arith.constant 0 : index
    %get3A_4 = vector.load %arg5[%get3A_2, %get3A_3] : memref<256x512xf32, #tpu.memory_space<vmem>>, vector<256x512xf32>
    %dot_general3A = arith.constant dense<0.000000e+00> : vector<1000x512xf32>
    %dot_general3A_5 = tpu.matmul %get3A_1, %get3A_4, %dot_general3A {dimension_numbers = #tpu.dot_dimension_numbers<[1], [0], [0], [1], [0, 0, 1, 1], [], []>, transpose_lhs_hint = false} : vector<1000x256xf32>, vector<256x512xf32>, vector<1000x512xf32> -> vector<1000x512xf32>
    %get3A_6 = arith.constant 0 : index
    %get3A_7 = arith.constant 0 : index
    %get3A_8 = vector.load %arg2[%get3A_6, %get3A_7] : memref<1000x256xf32, #tpu.memory_space<vmem>>, vector<1000x256xf32>
    %get3A_9 = arith.constant 0 : index
    %get3A_10 = arith.constant 0 : index
    %get3A_11 = vector.load %arg6[%get3A_9, %get3A_10] : memref<256x512xf32, #tpu.memory_space<vmem>>, vector<256x512xf32>
    %dot_general3A_12 = arith.constant dense<0.000000e+00> : vector<1000x512xf32>
    %dot_general3A_13 = tpu.matmul %get3A_8, %get3A_11, %dot_general3A_12 {dimension_numbers = #tpu.dot_dimension_numbers<[1], [0], [0], [1], [0, 0, 1, 1], [], []>, transpose_lhs_hint = false} : vector<1000x256xf32>, vector<256x512xf32>, vector<1000x512xf32> -> vector<1000x512xf32>
    %add3A = arith.addf %dot_general3A_5, %dot_general3A_13 : vector<1000x512xf32>
    %get3A_14 = arith.constant 0 : index
    %get3A_15 = arith.constant 0 : index
    %get3A_16 = vector.load %arg3[%get3A_14, %get3A_15] : memref<1000x256xf32, #tpu.memory_space<vmem>>, vector<1000x256xf32>
    %get3A_17 = arith.constant 0 : index
    %get3A_18 = arith.constant 0 : index
    %get3A_19 = vector.load %arg7[%get3A_17, %get3A_18] : memref<256x512xf32, #tpu.memory_space<vmem>>, vector<256x512xf32>
    %dot_general3A_20 = arith.constant dense<0.000000e+00> : vector<1000x512xf32>
    %dot_general3A_21 = tpu.matmul %get3A_16, %get3A_19, %dot_general3A_20 {dimension_numbers = #tpu.dot_dimension_numbers<[1], [0], [0], [1], [0, 0, 1, 1], [], []>, transpose_lhs_hint = false} : vector<1000x256xf32>, vector<256x512xf32>, vector<1000x512xf32> -> vector<1000x512xf32>
    %add3A_22 = arith.addf %add3A, %dot_general3A_21 : vector<1000x512xf32>
    %get3A_23 = arith.constant 0 : index
    %get3A_24 = arith.constant 0 : index
    %get3A_25 = vector.load %arg4[%get3A_23, %get3A_24] : memref<1000x256xf32, #tpu.memory_space<vmem>>, vector<1000x256xf32>
    %get3A_26 = arith.constant 0 : index
    %get3A_27 = arith.constant 0 : index
    %get3A_28 = vector.load %arg8[%get3A_26, %get3A_27] : memref<256x512xf32, #tpu.memory_space<vmem>>, vector<256x512xf32>
    %dot_general3A_29 = arith.constant dense<0.000000e+00> : vector<1000x512xf32>
    %dot_general3A_30 = tpu.matmul %get3A_25, %get3A_28, %dot_general3A_29 {dimension_numbers = #tpu.dot_dimension_numbers<[1], [0], [0], [1], [0, 0, 1, 1], [], []>, transpose_lhs_hint = false} : vector<1000x256xf32>, vector<256x512xf32>, vector<1000x512xf32> -> vector<1000x512xf32>
    %add3A_31 = arith.addf %add3A_22, %dot_general3A_30 : vector<1000x512xf32>
    %get3A_32 = arith.constant 0 : index
    %get3A_33 = arith.constant 0 : index
    %get3A_34 = vector.load %arg9[%get3A_32, %get3A_33] : memref<1x512xf32, #tpu.memory_space<vmem>>, vector<1x512xf32>
    %add3A_35 = vector.broadcast %get3A_34 : vector<1x512xf32> to vector<1000x512xf32>
    %add3A_36 = arith.addf %add3A_31, %add3A_35 : vector<1000x512xf32>
    %gt3A = arith.constant 0.000000e+00 : f32
    %gt3A_37 = vector.broadcast %gt3A : f32 to vector<1000x512xf32>
    %gt3A_38 = arith.cmpf ogt, %add3A_36, %gt3A_37 : vector<1000x512xf32>
    %min3A = arith.constant 0.000000e+00 : f32
    %min3A_39 = vector.broadcast %min3A : f32 to vector<1000x512xf32>
    %min3A_40 = arith.minimumf %add3A_36, %min3A_39 : vector<1000x512xf32>
    %exp3A = math.exp %min3A_40 : vector<1000x512xf32>
    %sub3A = arith.constant 1.000000e+00 : f32
    %sub3A_41 = vector.broadcast %sub3A : f32 to vector<1000x512xf32>
    %sub3A_42 = arith.subf %exp3A, %sub3A_41 : vector<1000x512xf32>
    %select_n3A = arith.select %gt3A_38, %add3A_36, %sub3A_42 : vector<1000x512xi1>, vector<1000x512xf32>
    %get3A_43 = arith.constant 0 : index
    %get3A_44 = arith.constant 0 : index
    %get3A_45 = vector.load %arg10[%get3A_43, %get3A_44] : memref<512x512xf32, #tpu.memory_space<vmem>>, vector<512x512xf32>
    %dot_general3A_46 = arith.constant dense<0.000000e+00> : vector<1000x512xf32>
    %dot_general3A_47 = tpu.matmul %select_n3A, %get3A_45, %dot_general3A_46 {dimension_numbers = #tpu.dot_dimension_numbers<[1], [0], [0], [1], [0, 0, 1, 1], [], []>, transpose_lhs_hint = false} : vector<1000x512xf32>, vector<512x512xf32>, vector<1000x512xf32> -> vector<1000x512xf32>
    %get3A_48 = arith.constant 0 : index
    %get3A_49 = arith.constant 0 : index
    %get3A_50 = vector.load %arg11[%get3A_48, %get3A_49] : memref<1x512xf32, #tpu.memory_space<vmem>>, vector<1x512xf32>
    %add3A_51 = vector.broadcast %get3A_50 : vector<1x512xf32> to vector<1000x512xf32>
    %add3A_52 = arith.addf %dot_general3A_47, %add3A_51 : vector<1000x512xf32>
    %gt3A_53 = arith.constant 0.000000e+00 : f32
    %gt3A_54 = vector.broadcast %gt3A_53 : f32 to vector<1000x512xf32>
    %gt3A_55 = arith.cmpf ogt, %add3A_52, %gt3A_54 : vector<1000x512xf32>
    %min3A_56 = arith.constant 0.000000e+00 : f32
    %min3A_57 = vector.broadcast %min3A_56 : f32 to vector<1000x512xf32>
    %min3A_58 = arith.minimumf %add3A_52, %min3A_57 : vector<1000x512xf32>
    %exp3A_59 = math.exp %min3A_58 : vector<1000x512xf32>
    %sub3A_60 = arith.constant 1.000000e+00 : f32
    %sub3A_61 = vector.broadcast %sub3A_60 : f32 to vector<1000x512xf32>
    %sub3A_62 = arith.subf %exp3A_59, %sub3A_61 : vector<1000x512xf32>
    %select_n3A_63 = arith.select %gt3A_55, %add3A_52, %sub3A_62 : vector<1000x512xi1>, vector<1000x512xf32>
    %get3A_64 = arith.constant 0 : index
    %get3A_65 = arith.constant 0 : index
    %get3A_66 = vector.load %arg12[%get3A_64, %get3A_65] : memref<512x256xf32, #tpu.memory_space<vmem>>, vector<512x256xf32>
    %dot_general3A_67 = arith.constant dense<0.000000e+00> : vector<1000x256xf32>
    %dot_general3A_68 = tpu.matmul %select_n3A_63, %get3A_66, %dot_general3A_67 {dimension_numbers = #tpu.dot_dimension_numbers<[1], [0], [0], [1], [0, 0, 1, 1], [], []>, transpose_lhs_hint = false} : vector<1000x512xf32>, vector<512x256xf32>, vector<1000x256xf32> -> vector<1000x256xf32>
    %get3A_69 = arith.constant 0 : index
    %get3A_70 = arith.constant 0 : index
    %get3A_71 = vector.load %arg13[%get3A_69, %get3A_70] : memref<1x256xf32, #tpu.memory_space<vmem>>, vector<1x256xf32>
    %add3A_72 = vector.broadcast %get3A_71 : vector<1x256xf32> to vector<1000x256xf32>
    %add3A_73 = arith.addf %dot_general3A_68, %add3A_72 : vector<1000x256xf32>
    %mul3A = arith.constant 1000 : i32
    %mul3A_74 = arith.muli %arg0, %mul3A : i32
    %iota3A = tpu.iota {dimensions = array<i32: 0>} : vector<1000x256xi32>
    %add3A_75 = vector.broadcast %mul3A_74 : i32 to vector<1000x256xi32>
    %add3A_76 = arith.addi %add3A_75, %iota3A : vector<1000x256xi32>
    %lt3A = arith.constant 9999 : i32
    %lt3A_77 = vector.broadcast %lt3A : i32 to vector<1000x256xi32>
    %lt3A_78 = arith.cmpi slt, %add3A_76, %lt3A_77 : vector<1000x256xi32>
    %jit3A = arith.constant 0.000000e+00 : f32
    %broadcast_in_dim3A = vector.broadcast %jit3A : f32 to vector<1000x256xf32>
    %select_n3A_79 = arith.select %lt3A_78, %add3A_73, %broadcast_in_dim3A : vector<1000x256xi1>, vector<1000x256xf32>
    %swap3A = arith.constant 0 : index
    %swap3A_80 = arith.constant 0 : index
    %swap3A_81 = vector.load %arg14[%swap3A, %swap3A_80] : memref<1000x256xf32, #tpu.memory_space<vmem>>, vector<1000x256xf32>
    tpu.vector_store %arg14[%swap3A, %swap3A_80], %select_n3A_79 {strides = array<i32>} : memref<1000x256xf32, #tpu.memory_space<vmem>>, vector<1000x256xf32>,
    return
  }
  func.func @transform_0(%arg0: i32) -> (i32, i32) {
    %c0_i32 = arith.constant 0 : i32
    %c0_i32_0 = arith.constant 0 : i32
    return %arg0, %c0_i32 : i32, i32
  }
  func.func @transform_1(%arg0: i32) -> (i32, i32) {
    %c0_i32 = arith.constant 0 : i32
    %c0_i32_0 = arith.constant 0 : i32
    return %arg0, %c0_i32 : i32, i32
  }
  func.func @transform_2(%arg0: i32) -> (i32, i32) {
    %c0_i32 = arith.constant 0 : i32
    %c0_i32_0 = arith.constant 0 : i32
    return %arg0, %c0_i32 : i32, i32
  }
  func.func @transform_3(%arg0: i32) -> (i32, i32) {
    %c0_i32 = arith.constant 0 : i32
    %c0_i32_0 = arith.constant 0 : i32
    return %arg0, %c0_i32 : i32, i32
  }
  func.func @transform_4(%arg0: i32) -> (i32, i32) {
    %c0_i32 = arith.constant 0 : i32
    %c0_i32_0 = arith.constant 0 : i32
    %c0_i32_1 = arith.constant 0 : i32
    return %c0_i32, %c0_i32_0 : i32, i32
  }
  func.func @transform_5(%arg0: i32) -> (i32, i32) {
    %c0_i32 = arith.constant 0 : i32
    %c0_i32_0 = arith.constant 0 : i32
    %c0_i32_1 = arith.constant 0 : i32
    return %c0_i32, %c0_i32_0 : i32, i32
  }
  func.func @transform_6(%arg0: i32) -> (i32, i32) {
    %c0_i32 = arith.constant 0 : i32
    %c0_i32_0 = arith.constant 0 : i32
    %c0_i32_1 = arith.constant 0 : i32
    return %c0_i32, %c0_i32_0 : i32, i32
  }
  func.func @transform_7(%arg0: i32) -> (i32, i32) {
    %c0_i32 = arith.constant 0 : i32
    %c0_i32_0 = arith.constant 0 : i32
    %c0_i32_1 = arith.constant 0 : i32
    return %c0_i32, %c0_i32_0 : i32, i32
  }
  func.func @transform_8(%arg0: i32) -> (i32, i32) {
    %c0_i32 = arith.constant 0 : i32
    %c0_i32_0 = arith.constant 0 : i32
    %c0_i32_1 = arith.constant 0 : i32
    return %c0_i32, %c0_i32_0 : i32, i32
  }
  func.func @transform_9(%arg0: i32) -> (i32, i32) {
    %c0_i32 = arith.constant 0 : i32
    %c0_i32_0 = arith.constant 0 : i32
    %c0_i32_1 = arith.constant 0 : i32
    return %c0_i32, %c0_i32_0 : i32, i32
  }
  func.func @transform_10(%arg0: i32) -> (i32, i32) {
    %c0_i32 = arith.constant 0 : i32
    %c0_i32_0 = arith.constant 0 : i32
    %c0_i32_1 = arith.constant 0 : i32
    return %c0_i32, %c0_i32_0 : i32, i32
  }
  func.func @transform_11(%arg0: i32) -> (i32, i32) {
    %c0_i32 = arith.constant 0 : i32
    %c0_i32_0 = arith.constant 0 : i32
    %c0_i32_1 = arith.constant 0 : i32
    return %c0_i32, %c0_i32_0 : i32, i32
  }
  func.func @transform_12(%arg0: i32) -> (i32, i32) {
    %c0_i32 = arith.constant 0 : i32
    %c0_i32_0 = arith.constant 0 : i32
    %c0_i32_1 = arith.constant 0 : i32
    return %c0_i32, %c0_i32_0 : i32, i32
  }
  func.func @transform_13(%arg0: i32) -> (i32, i32) {
    %c0_i32 = arith.constant 0 : i32
    %c0_i32_0 = arith.constant 0 : i32
    return %arg0, %c0_i32 : i32, i32
  }
}

</mosaic_0001>

<sc_bundles>
// kernel: kernel.8.cloned.1.call-start
scs
__scs_entry_jumppad:
0x0: {  	(pc) =	sbr.rel $0x88, $3  }
0x1: {  	(tag) =	ssettag $0x0;
	lr =	simm.s32 $0x1  }
0x2: {  	[smem:$0x3F7E] =	sst lr;
	_ =	strace $0xD0000000  }
0x3: {  	_ = 	snop  }
0x4: {  	_ = 	snop  }
0x5: {  	_ = 	snop  }
0x6: {  	_ = 	snop  }
0x7: {  	_ = 	snop  }
__scs_overlays_trampoline_lowered:
0x8: {  	[smem:$0x3F8D] =	sst s0  }
0x9: {  	[smem:$0x3F8E] =	sst s1  }
0xa: {  	[smem:$0x3F8F] =	sst s2  }
0xb: {  	[smem:$0x3F90] =	sst s3  }
0xc: {  	[smem:$0x3F91] =	sst s4  }
0xd: {  	[smem:$0x3F92] =	sst s5  }
0xe: {  	[smem:$0x3F93] =	sst s6  }
0xf: {  	[smem:$0x3F94] =	sst s7  }
0x10: {  	[smem:$0x3F95] =	sst s8  }
0x11: {  	[smem:$0x3F96] =	sst s9;
	s0 =	simm.s32 @!p0 $0x0  }
0x12: {  	s1 =	sld [smem:$0x3F7C];
	s0 =	simm.s32 @p0 $0x1  }
0x13: {  	[smem:$0x3F97] =	sst s0;
	s0 =	simm.s32 @!p1 $0x0  }
0x14: {  	s2 =	sld [smem:$0x3F7B];
	s0 =	simm.s32 @p1 $0x1  }
0x15: {  	[smem:$0x3F98] =	sst s0;
	s0 =	simm.s32 @!p2 $0x0  }
0x16: {  	s3 =	sld [smem:$0x3FDB];
	s0 =	simm.s32 @p2 $0x1  }
0x17: {  	s4 =	simm.s32 $0x1BF5;
	[smem:$0x3F9A] =	sst s0  }
0x18: {  	s0 =	sld [smem:$0x3F7D];
	_ =	swait.ge [sflag:s4], $0x0  }
0x19: {  	s7 =	sld [smem:$0x3F7E]  }
0x1a: {  	s8 =	sadd.s32 $0xFFFFE003, lr  }
0x1b: {  	s9 =	sadd.s32 $0xFFFFFEF7, lr;
	s5 =	simm.s32 $0xFFFFFFFF;
	p2 =	slt.u32 s8, $0xFFFFF086  }
0x1c: {  	p1 =	slt.u32 s9, $0xF7A;
	s5 =	simm.s32 @!p2 $0x0  }
0x1d: {  	s5 =	simm.s32 @p1 $0x1;
	p0 =	seq.s32 s7, s2  }
0x1e: {  	s7 =	smul.u32 @!p0 $0xF7A, s2;
	p2 =	seq.s32 @!p0 s5, $0x0  }
0x1f: {  	s9 =	smul.u32 $0xF7A, s1;
	s8 =	simm.s32 @!p0 $0x1BF5;
	p2 =	por !p2, p0  }
0x20: {  	[sflag:s8] =	ssyncset.s32 @!p0 $0xFFFFF086;
	s6 =	sadd.s32 @!p0 s3, s7;
	s7 =	simm.s32 @!p0 $0x108  }
0x21: {  	s3 =	sadd.s32 s3, s9;
	s6 =	sadd.s32 @!p0 $0x88, s6;
	s7 =	simm.s32 @p2 $0x1082  }
0x22: {  	[simem:s7], [sflag:s8] =	dma.local @!p0 [hbm:s6], $0xF7A  }
0x23: {  	s9 =	sor.u32 $0xD0000000, s2;
	s6 =	simm.s32 $0x108;
	_ =	swait.ge @!p0 [sflag:s8], $0x0  }
0x24: {  	s3 =	sadd.s32 $0x88, s3;
	s6 =	simm.s32 @!p1 $0x1082;
	[sflag:s4] =	ssyncset.s32 $0xFFFFF086  }
0x25: {  	[simem:s6], [sflag:s4] =	dma.local [hbm:s3], $0xF7A  }
0x26: {  	[smem:$0x3F7E] =	sst s1;
	(tag) =	ssettag s2;
	_ =	strace s9  }
0x27: {  	s1 =	sld [smem:$0x3F8E]  }
0x28: {  	s2 =	sld [smem:$0x3F8F]  }
0x29: {  	s4 =	sld [smem:$0x3F91]  }
0x2a: {  	p0 =	seq.s32 s5, $0x0;
	s5 =	sld [smem:$0x3F92]  }
0x2b: {  	s6 =	sld [smem:$0x3F93]  }
0x2c: {  	s7 =	sld [smem:$0x3F94]  }
0x2d: {  	s3 =	simm.s32 $0x108;
	s8 =	sld [smem:$0x3F95]  }
0x2e: {  	s3 =	simm.s32 @!p0 $0x1082;
	s9 =	sld [smem:$0x3F96]  }
0x2f: {  	lr =	sadd.s32 s0, s3;
	s0 =	sld [smem:$0x3F8D]  }
0x30: {  	s3 =	sld [smem:$0x3F90]  }
0x31: {  	[smem:$0x3F99] =	sst s10  }
0x32: {  	s10 =	sld [smem:$0x3F97];
	_ =	sdelay $0x3  }
0x33: {  	p0 =	seq.s32 s10, $0x1;
	s10 =	sld [smem:$0x3F99];
	_ =	sdelay $0x3  }
0x34: {  	[smem:$0x3F99] =	sst s10  }
0x35: {  	s10 =	sld [smem:$0x3F98];
	_ =	sdelay $0x3  }
0x36: {  	p1 =	seq.s32 s10, $0x1;
	s10 =	sld [smem:$0x3F99];
	_ =	sdelay $0x3  }
0x37: {  	[smem:$0x3F99] =	sst s10  }
0x38: {  	s10 =	sld [smem:$0x3F9A]  }
0x39: {  	_ = 	snop;
	(pc) =	sbr.ind lr, $3  }
0x3a: {  	_ = 	snop  }
0x3b: {  	_ = 	snop  }
0x3c: {  	p2 =	seq.s32 s10, $0x1;
	s10 =	sld [smem:$0x3F99]  }
0x3d: {  	_ =	shalt  }
0x3e: {  	_ =	shalt  }
0x3f: {  	_ =	shalt  }
0x40: {  	_ =	shalt  }
0x41: {  	_ =	shalt  }
0x42: {  	_ =	shalt  }
0x43: {  	_ =	shalt  }
0x44: {  	_ =	shalt  }
0x45: {  	_ =	shalt  }
0x46: {  	_ =	shalt  }
0x47: {  	_ =	shalt  }
0x48: {  	_ =	shalt  }
0x49: {  	_ =	shalt  }
0x4a: {  	_ =	shalt  }
0x4b: {  	_ =	shalt  }
0x4c: {  	_ =	shalt  }
0x4d: {  	_ =	shalt  }
0x4e: {  	_ =	shalt  }
0x4f: {  	_ =	shalt  }
0x50: {  	_ =	shalt  }
0x51: {  	_ =	shalt  }
0x52: {  	_ =	shalt  }
0x53: {  	_ =	shalt  }
0x54: {  	_ =	shalt  }
0x55: {  	_ =	shalt  }
0x56: {  	_ =	shalt  }
0x57: {  	_ =	shalt  }
0x58: {  	_ =	shalt  }
0x59: {  	_ =	shalt  }
0x5a: {  	_ =	shalt  }
0x5b: {  	_ =	shalt  }
0x5c: {  	_ =	shalt  }
0x5d: {  	_ =	shalt  }
0x5e: {  	_ =	shalt  }
0x5f: {  	_ =	shalt  }
0x60: {  	_ =	shalt  }
0x61: {  	_ =	shalt  }
0x62: {  	_ =	shalt  }
0x63: {  	_ =	shalt  }
0x64: {  	_ =	shalt  }
0x65: {  	_ =	shalt  }
0x66: {  	_ =	shalt  }
0x67: {  	_ =	shalt  }
0x68: {  	_ =	shalt  }
0x69: {  	_ =	shalt  }
0x6a: {  	_ =	shalt  }
0x6b: {  	_ =	shalt  }
0x6c: {  	_ =	shalt  }
0x6d: {  	_ =	shalt  }
0x6e: {  	_ =	shalt  }
0x6f: {  	_ =	shalt  }
0x70: {  	_ =	shalt  }
0x71: {  	_ =	shalt  }
0x72: {  	_ =	shalt  }
0x73: {  	_ =	shalt  }
0x74: {  	_ =	shalt  }
0x75: {  	_ =	shalt  }
0x76: {  	_ =	shalt  }
0x77: {  	_ =	shalt  }
0x78: {  	_ =	shalt  }
0x79: {  	_ =	shalt  }
0x7a: {  	_ =	shalt  }
0x7b: {  	_ =	shalt  }
0x7c: {  	_ =	shalt  }
0x7d: {  	_ =	shalt  }
0x7e: {  	_ =	shalt  }
0x7f: {  	_ =	shalt  }
0x80: {  	_ =	shalt  }
0x81: {  	_ =	shalt  }
0x82: {  	_ =	shalt  }
0x83: {  	_ =	shalt  }
0x84: {  	_ =	shalt  }
0x85: {  	_ =	shalt  }
0x86: {  	_ =	shalt  }
0x87: {  	_ =	shalt  }
.Lfunc_end0:
.L_simem_size_0:
called_computation_lowered:
.L_overlay_start_0:
0x88: {  	s2 =	sld [smem:$0x3FD9]  }
0x89: {  	s3 =	sld [smem:$0x3FFE];
	_ =	sdelay $0x1  }
0x8a: {  	s1 =	srdreg.scid  }
0x8b: {  	s0 =	sand.u32 $0x1, s1  }
0x8c: {  	s17 =	sshll.u32 s0, $0xA;
	s2 =	sadd.s32 s3, s2  }
0x8d: {  	s2 =	sadd.s32 s2, s17  }
0x8e: {  	[smem:$0x3FA5] =	sst s2  }
0x8f: {  	_ = 	snop  }
0x90: {  	s2 =	sld [smem:$0x3FC9]  }
0x91: {  	s18 =	sld [smem:$0x3FD0];
	(tm) =	ssettm $0x1  }
0x92: {  	s4 =	sld [smem:$0x3FFB];
	_ =	sdelay $0x3  }
0x93: {  	_ =	strace s4  }
0x94: {  	s4 =	sld [smem:$0x3FFC];
	_ =	sdelay $0x3  }
0x95: {  	_ =	strace s4  }
0x96: {  	s4 =	sld [smem:$0x3FFD];
	_ =	sdelay $0x3  }
0x97: {  	_ =	strace s4  }
0x98: {  	_ =	strace $0x8FFFFFFF  }
0x99: {  	s19 =	sld [smem:$0x3FDB];
	_ =	sdelay $0x1  }
0x9a: {  	s5 =	simm.s32 $_scs_section_size  }
0x9b: {  	s6 =	simm.s32 $_size__tile_overlayer_lowered;
	s7 =	simm.s32 $_tile_overlayer_lowered  }
0x9c: {  	s22 =	simm.s32 $0x1BFF;
	s21 =	sshll.u32 s7, $0x1;
	s4 =	sadd.s32 s5, s19  }
0x9d: {  	s8 =	simm.s32 $0x0;
	s20 =	sshll.u32 s6, $0x1;
	s6 =	sadd.s32 s21, s4  }
0x9e: {  	[timem:s8], [sflag:s22] =	dma.local [hbm:s6], s20  }
0x9f: {  	_ =	swait.ge [sflag:s22], s20  }
0xa0: {  	s5 =	ssub.s32 $0x0, s20;
	[sflag:s22] =	ssyncset.done $0x0  }
0xa1: {  	[sflag:s22] =	ssyncadd.s32 s5;
	_ =	sdelay $0x1  }
0xa2: {  	s23 =	simm.s32 $0x1B8B  }
0xa3: {  	_ =	swait.ge [sflag:s23], $0x1  }
0xa4: {  	[sflag:s23] =	ssyncset.done $0x0  }
0xa5: {  	s25 =	simm.s32 $0x1B8E;
	s24 =	sld [smem:$0x3FFE];
	[sflag:s23] =	ssyncadd.s32 $0xFFFFFFFF  }
0xa6: {  	s26 =	simm.s32 $execute0_lowered;
	[smem:$0x3FD2] =	sst s25  }
0xa7: {  	s6 =	sshll.u32 s26, $0x1;
	_ =	strace $0x80000046;
	[dreg:$0x1] =	wrdreg $0xFFFFFFFF  }
0xa8: {  	s28 =	simm.s32 $_size_execute0_lowered;
	s4 =	sadd.s32 s4, s6;
	[dreg:$0x0] =	wrdreg $0x0  }
0xa9: {  	s6 =	sshll.u32 s28, $0x1;
	[dreg:$0x2] =	wrdreg s4  }
0xaa: {  	[dreg:$0x3] =	wrdreg s6  }
0xab: {  	[dreg:$0x4] =	wrdreg $0xC0  }
0xac: {  	_ =	task [dreg:s8], $0x5FFFF  }
0xad: {  	[dreg:$0x1] =	wrdreg $0xFFFFFFFF  }
0xae: {  	[dreg:$0x0] =	wrdreg $0x60  }
0xaf: {  	[dreg:$0x2] =	wrdreg s2  }
0xb0: {  	[dreg:$0x3] =	wrdreg s18  }
0xb1: {  	[dreg:$0x4] =	wrdreg s24  }
0xb2: {  	[dreg:$0x5] =	wrdreg $0x91800  }
0xb3: {  	[dreg:$0x6] =	wrdreg $0x9  }
0xb4: {  	_ =	task.clear_ibuf [dreg:s8], $0x7FFFF;
	_ =	strace $0x90000046  }
0xb5: {  	s29 =	simm.s32 $0x9;
	_ =	strace $0x80000048  }
0xb6: {  	_ =	swait.ge [sflag:s29], $0x1  }
0xb7: {  	[sflag:s29] =	ssyncadd.s32 $0xFFFFFFFF  }
0xb8: {  	_ =	strace $0x90000048  }
0xb9: {  	_ =	sfence  }
0xba: {  	s30 =	sld [smem:$0x0];
	_ =	sdelay $0x2  }
0xbb: {  	s31 =	sshll.u32 s1, $0xD;
	s1 =	sshrl.u32 s1, $0x2  }
0xbc: {  	s3 =	sand.u32 $0x4000, s31;
	s1 =	sadd.s32 s1, s30  }
0xbd: {  	s0 =	sor.u32 s3, s0;
	s1 =	sshll.u32 s1, $0x11  }
0xbe: {  	s0 =	sor.u32 s1, s0  }
0xbf: {  	s0 =	sadd.s32 $0x8F2B, s0  }
0xc0: {  	[sflag:s0] =	ssyncadd.remote.s32 $0x1  }
0xc1: {  	_ =	sfence.sel $0xFFFF  }
0xc2: {  	[dreg:$0x0] =	wrdreg $0xFFFFFFFF;
	(pc) =	sbr.abs _section_cstart, $3  }
0xc3: {  	[dreg:$0x1] =	wrdreg $0xFFFFFFFF  }
0xc4: {  	_ =	task.clear_ibuf [dreg:s8], $0x2FFFF;
	_ =	strace $0x9FFFFFFF  }
0xc5: {  	(tm) =	ssettm $0x7FFFFFFF  }
tec
execute0_lowered:
.L_overlay_start_1:
0x0: {  	(tag) =	ssettag $0x1  }
0x1: {  	s1 =	rddreg [dreg:$0x0]  }
0x2: {  	s3 =	rddreg [dreg:$0x1]  }
0x3: {  	s0 =	rddreg [dreg:$0x2]  }
0x4: {  	s4 =	rddreg [dreg:$0x3]  }
0x5: {  	s16 =	stileid.u32;
	s2 =	srdreg.scid;
	s5 =	simm.s32 $0x0  }
0x6: {  	s28 =	simm.s32 $0x1080;
	s29 =	simm.s32 $0x1880;
	s7 =	smul.u32 $0x2800, s16  }
0x7: {  	s30 =	simm.s32 $0x2080;
	s31 =	simm.s32 $0x2880;
	s9 =	smul.u32 $0x500, s16  }
0x8: {  	s2 =	sand.u32 $0x1, s2;
	[smem:$0x7FF] =	sst s5;
	s20 =	smul.u32 $0x278, s16  }
0x9: {  	s6 =	sadd.s32 $0x11600, s0;
	s11 =	smul.u32 $0x2780, s16;
	s14 =	sadd.s32 $0x1D3E00, s0  }
0xa: {  	s13 =	sadd.s32 $0x1AC000, s0;
	s8 =	smul.u32 $0x28000, s2;
	_ =	strace $0x80000047  }
0xb: {  	s10 =	smul.u32 $0x2780, s2;
	s12 =	sshll.u32 s2, $0x4;
	s2 =	ssub.s32 $0x2, s2  }
0xc: {  	s9 =	sadd.s32 s9, s0;
	s21 =	sor.u32 s16, s12;
	s11 =	sadd.s32 s11, s0  }
0xd: {  	s22 =	sshrl.u32 s2, $0x1;
	s7 =	sadd.s32 s7, s8;
	s12 =	smul.u32 $0x140, s21  }
0xe: {  	s8 =	sadd.s32 s20, s10;
	s10 =	smul.u32 $0x2800, s21;
	s2 =	ssub.s32 s2, s22  }
0xf: {  	s21 =	smul.u32 $0x4F000, s16;
	s7 =	sshrl.u32 s7, $0x3;
	s8 =	sshll.u32 s8, $0x4  }
0x10: {  	s7 =	sadd.s32 s7, s0;
	s0 =	sadd.s32 s8, s0;
	s15 =	sshrl.u32 s12, $0x3  }
0x11: {  	s24 =	sadd.s32 $0x50, s12;
	s10 =	sadd.s32 s14, s10;
	s26 =	sadd.s32 $0xA0, s12  }
0x12: {  	s19 =	sadd.s32 $0xF0, s12;
	s23 =	sadd.s32 s13, s15;
	[dreg:$0x6] =	wrdreg s10  }
0x13: {  	s25 =	sshrl.u32 s24, $0x3;
	s8 =	sshll.u32 s24, $0x5;
	s17 =	sshrl.u32 s26, $0x3  }
0x14: {  	s20 =	sshll.u32 s26, $0x5;
	s12 =	sshrl.u32 s19, $0x3;
	s24 =	sadd.s32 $0x1AC600, s11  }
0x15: {  	s26 =	smax.u32 s2, $0x1;
	s2 =	simm.s32 $0x3880;
	[dreg:$0x5] =	wrdreg s23  }
0x16: {  	s11 =	simm.s32 $0x5100;
	s10 =	sadd.s32 s13, s25;
	[dreg:$0xd] =	wrdreg s24  }
0x17: {  	s8 =	sadd.s32 s14, s8;
	s18 =	sadd.s32 s13, s17;
	[dreg:$0x11] =	wrdreg s26  }
0x18: {  	s22 =	sadd.s32 s13, s12;
	s23 =	sshrl.u32 s21, $0x2;
	[dreg:$0x7] =	wrdreg s10  }
0x19: {  	s25 =	sadd.s32 $0x223E00, s0;
	s0 =	sadd.s32 $0x272E00, s0;
	[dreg:$0x8] =	wrdreg s8  }
0x1a: {  	s21 =	sadd.s32 $0x198000, s7;
	s24 =	simm.s32 $0x2;
	[dreg:$0x9] =	wrdreg s18  }
0x1b: {  	s12 =	simm.s32 $0x5180;
	s13 =	simm.s32 $0x0;
	[dreg:$0xb] =	wrdreg s22  }
0x1c: {  	s10 =	sadd.s32 s14, s20;
	s8 =	sshll.u32 s19, $0x5;
	[dreg:$0xf] =	wrdreg s25  }
0x1d: {  	[dreg:$0x10] =	wrdreg s0;
	s20 =	sadd.s32 $0x7600, s9;
	s22 =	sadd.s32 $0xC600, s9  }
0x1e: {  	s25 =	simm.s32 $0x80;
	s0 =	simm.s32 $0x3080;
	s9 =	simm.s32 $0x1  }
0x1f: {  	v2 =	vlaneseq.u32;
	[dreg:$0xa] =	wrdreg s10;
	s8 =	sadd.s32 s14, s8;
	s10 =	simm.s32 $0x5080  }
0x20: {  	vm0 =	vmmov $0xffff;
	v1 =	vshrl.u32 v2, $0x3;
	[dreg:$0xc] =	wrdreg s8;
	s8 =	sadd.s32 s23, s4;
	s23 =	sadd.s32 $0x1A2000, s7  }
0x21: {  	v0 =	vand.u32 $0x7, v2;
	v2 =	vor.u32 $0x8, v2;
	v1 =	vmul.u32 $0x8, v1;
	s7 =	simm.s32 $0x4080;
	[dreg:$0xe] =	wrdreg s8;
	s8 =	simm.s32 $0x4880  }
.LBB2_1:
0x22: {  	s14 =	rddreg [dreg:$0x5]  }
0x23: {  	[tilespmem:s5], [sflag:$0x2] =	stream.linear.gather [hbm4b:s14+s5], $0x50, $0x38;
	[tilespmem:$0x1CD80] =	vst v63  }
0x24: {  	_ =	swait.ge [sflag:s24], $0x50  }
0x25: {  	[sflag:s24] =	ssyncset.done $0x0  }
0x26: {  	[sflag:s24] =	ssyncadd.s32 $0xFFFFFFB0  }
0x27: {  	v3 =	vld [tilespmem:$0x0];
	_ =	sdelay $0x4  }
0x28: {  	v4 =	vshll.u32 v3, $0x1  }
0x29: {  	v3 =	vand.u32 $0x7, v3;
	v4 =	vand.u32 $0xFFFFFFF0, v4  }
0x2a: {  	v3 =	vor.u32 v3, v4  }
0x2b: {  	v4 =	vperm.xlane v3, v0;
	_ =	sdelay $0x1  }
0x2c: {  	v3 =	vperm.xlane v3, v2;
	v4 =	vadd.s32 v1, v4;
	_ =	sdelay $0x1  }
0x2d: {  	v3 =	vadd.s32 v1, v3;
	_ =	sdelay $0x2  }
0x2e: {  	[tilespmem:s25], [sflag:$0x1] =	stream.indirect_vreg.gather [hbm4b:s1+s5], $0x80, v4, vm0, $0xb8;
	[tilespmem:$0x1CD80] =	vst v63  }
0x2f: {  	s15 =	simm.s32 $0x880  }
0x30: {  	[tilespmem:s15], [sflag:$0x1] =	stream.indirect_vreg.gather [hbm4b:s1+s5], $0x80, v3, vm0, $0xb8;
	[tilespmem:$0x1CD80] =	vst v63  }
0x31: {  	v3 =	vld [tilespmem:$0x10];
	_ =	sdelay $0x4  }
0x32: {  	v45 =	vshll.u32 v3, $0x1  }
0x33: {  	v3 =	vand.u32 $0x7, v3;
	v4 =	vand.u32 $0xFFFFFFF0, v45  }
0x34: {  	v3 =	vor.u32 v3, v4  }
0x35: {  	v4 =	vperm.xlane v3, v0;
	_ =	sdelay $0x1  }
0x36: {  	v3 =	vperm.xlane v3, v2;
	v4 =	vadd.s32 v1, v4;
	_ =	sdelay $0x1  }
0x37: {  	v3 =	vadd.s32 v1, v3;
	_ =	sdelay $0x2  }
0x38: {  	[tilespmem:s28], [sflag:$0x1] =	stream.indirect_vreg.gather [hbm4b:s1+s5], $0x80, v4, vm0, $0xb8;
	[tilespmem:$0x1CD80] =	vst v63  }
0x39: {  	_ = 	snop  }
0x3a: {  	[tilespmem:s29], [sflag:$0x1] =	stream.indirect_vreg.gather [hbm4b:s1+s5], $0x80, v3, vm0, $0xb8;
	[tilespmem:$0x1CD80] =	vst v63  }
0x3b: {  	v3 =	vld [tilespmem:$0x20];
	_ =	sdelay $0x4  }
0x3c: {  	v46 =	vshll.u32 v3, $0x1  }
0x3d: {  	v3 =	vand.u32 $0x7, v3;
	v4 =	vand.u32 $0xFFFFFFF0, v46  }
0x3e: {  	v3 =	vor.u32 v3, v4  }
0x3f: {  	v4 =	vperm.xlane v3, v0;
	_ =	sdelay $0x1  }
0x40: {  	v3 =	vperm.xlane v3, v2;
	v4 =	vadd.s32 v1, v4;
	_ =	sdelay $0x1  }
0x41: {  	v3 =	vadd.s32 v1, v3;
	_ =	sdelay $0x2  }
0x42: {  	[tilespmem:s30], [sflag:$0x1] =	stream.indirect_vreg.gather [hbm4b:s1+s5], $0x80, v4, vm0, $0xb8;
	[tilespmem:$0x1CD80] =	vst v63  }
0x43: {  	_ = 	snop  }
0x44: {  	[tilespmem:s31], [sflag:$0x1] =	stream.indirect_vreg.gather [hbm4b:s1+s5], $0x80, v3, vm0, $0xb8;
	[tilespmem:$0x1CD80] =	vst v63  }
0x45: {  	v3 =	vld [tilespmem:$0x30];
	_ =	sdelay $0x4  }
0x46: {  	v47 =	vshll.u32 v3, $0x1  }
0x47: {  	v3 =	vand.u32 $0x7, v3;
	v4 =	vand.u32 $0xFFFFFFF0, v47  }
0x48: {  	v3 =	vor.u32 v3, v4  }
0x49: {  	v4 =	vperm.xlane v3, v0;
	_ =	sdelay $0x1  }
0x4a: {  	v3 =	vperm.xlane v3, v2;
	v4 =	vadd.s32 v1, v4;
	_ =	sdelay $0x1  }
0x4b: {  	v3 =	vadd.s32 v1, v3;
	_ =	sdelay $0x2  }
0x4c: {  	[tilespmem:s0], [sflag:$0x1] =	stream.indirect_vreg.gather [hbm4b:s1+s5], $0x80, v4, vm0, $0xb8;
	[tilespmem:$0x1CD80] =	vst v63  }
0x4d: {  	_ = 	snop  }
0x4e: {  	[tilespmem:s2], [sflag:$0x1] =	stream.indirect_vreg.gather [hbm4b:s1+s5], $0x80, v3, vm0, $0xb8;
	[tilespmem:$0x1CD80] =	vst v63  }
0x4f: {  	v3 =	vld [tilespmem:$0x40];
	_ =	sdelay $0x4  }
0x50: {  	v48 =	vshll.u32 v3, $0x1  }
0x51: {  	v3 =	vand.u32 $0x7, v3;
	v4 =	vand.u32 $0xFFFFFFF0, v48  }
0x52: {  	v3 =	vor.u32 v3, v4  }
0x53: {  	v4 =	vperm.xlane v3, v0;
	_ =	sdelay $0x1  }
0x54: {  	v3 =	vperm.xlane v3, v2;
	v4 =	vadd.s32 v1, v4;
	_ =	sdelay $0x1  }
0x55: {  	v3 =	vadd.s32 v1, v3;
	_ =	sdelay $0x2  }
0x56: {  	[tilespmem:s7], [sflag:$0x1] =	stream.indirect_vreg.gather [hbm4b:s1+s5], $0x80, v4, vm0, $0xb8;
	[tilespmem:$0x1CD80] =	vst v63  }
0x57: {  	_ = 	snop  }
0x58: {  	[tilespmem:s8], [sflag:$0x1] =	stream.indirect_vreg.gather [hbm4b:s1+s5], $0x80, v3, vm0, $0xb8;
	[tilespmem:$0x1CD80] =	vst v63  }
0x59: {  	_ =	swait.ge [sflag:s9], $0x5000  }
0x5a: {  	[sflag:s9] =	ssyncset.done $0x0  }
0x5b: {  	s26 =	rddreg [dreg:$0x6];
	[sflag:s9] =	ssyncadd.s32 $0xFFFFB000  }
0x5c: {  	[hbm4b:s26+s5] =	stream.linear.scatter [tilespmem:s25], [sflag:$0x2], $0x5000, $0x38;
	[tilespmem:$0x1CD80] =	vst v63  }
0x5d: {  	_ =	swait.ge [sflag:s24], $0x5000  }
0x5e: {  	[sflag:s24] =	ssyncset.done $0x0  }
0x5f: {  	s16 =	rddreg [dreg:$0x7];
	[sflag:s24] =	ssyncadd.s32 $0xFFFFB000  }
0x60: {  	[tilespmem:s5], [sflag:$0x2] =	stream.linear.gather [hbm4b:s16+s5], $0x50, $0x38;
	[tilespmem:$0x1CD80] =	vst v63  }
0x61: {  	_ =	swait.ge [sflag:s24], $0x50  }
0x62: {  	[sflag:s24] =	ssyncset.done $0x0  }
0x63: {  	[sflag:s24] =	ssyncadd.s32 $0xFFFFFFB0  }
0x64: {  	v3 =	vld [tilespmem:$0x0];
	_ =	sdelay $0x4  }
0x65: {  	v49 =	vshll.u32 v3, $0x1  }
0x66: {  	v3 =	vand.u32 $0x7, v3;
	v4 =	vand.u32 $0xFFFFFFF0, v49  }
0x67: {  	v3 =	vor.u32 v3, v4  }
0x68: {  	v4 =	vperm.xlane v3, v0;
	_ =	sdelay $0x1  }
0x69: {  	v3 =	vperm.xlane v3, v2;
	v4 =	vadd.s32 v1, v4;
	_ =	sdelay $0x1  }
0x6a: {  	v3 =	vadd.s32 v1, v3;
	_ =	sdelay $0x2  }
0x6b: {  	[tilespmem:s25], [sflag:$0x1] =	stream.indirect_vreg.gather [hbm4b:s1+s5], $0x80, v4, vm0, $0xb8;
	[tilespmem:$0x1CD80] =	vst v63  }
0x6c: {  	_ = 	snop  }
0x6d: {  	[tilespmem:s15], [sflag:$0x1] =	stream.indirect_vreg.gather [hbm4b:s1+s5], $0x80, v3, vm0, $0xb8;
	[tilespmem:$0x1CD80] =	vst v63  }
0x6e: {  	v3 =	vld [tilespmem:$0x10];
	_ =	sdelay $0x4  }
0x6f: {  	v50 =	vshll.u32 v3, $0x1  }
0x70: {  	v3 =	vand.u32 $0x7, v3;
	v4 =	vand.u32 $0xFFFFFFF0, v50  }
0x71: {  	v3 =	vor.u32 v3, v4  }
0x72: {  	v4 =	vperm.xlane v3, v0;
	_ =	sdelay $0x1  }
0x73: {  	v3 =	vperm.xlane v3, v2;
	v4 =	vadd.s32 v1, v4;
	_ =	sdelay $0x1  }
0x74: {  	v3 =	vadd.s32 v1, v3;
	_ =	sdelay $0x2  }
0x75: {  	[tilespmem:s28], [sflag:$0x1] =	stream.indirect_vreg.gather [hbm4b:s1+s5], $0x80, v4, vm0, $0xb8;
	[tilespmem:$0x1CD80] =	vst v63  }
0x76: {  	_ = 	snop  }
0x77: {  	[tilespmem:s29], [sflag:$0x1] =	stream.indirect_vreg.gather [hbm4b:s1+s5], $0x80, v3, vm0, $0xb8;
	[tilespmem:$0x1CD80] =	vst v63  }
0x78: {  	v3 =	vld [tilespmem:$0x20];
	_ =	sdelay $0x4  }
0x79: {  	v51 =	vshll.u32 v3, $0x1  }
0x7a: {  	v3 =	vand.u32 $0x7, v3;
	v4 =	vand.u32 $0xFFFFFFF0, v51  }
0x7b: {  	v3 =	vor.u32 v3, v4  }
0x7c: {  	v4 =	vperm.xlane v3, v0;
	_ =	sdelay $0x1  }
0x7d: {  	v3 =	vperm.xlane v3, v2;
	v4 =	vadd.s32 v1, v4;
	_ =	sdelay $0x1  }
0x7e: {  	v3 =	vadd.s32 v1, v3;
	_ =	sdelay $0x2  }
0x7f: {  	[tilespmem:s30], [sflag:$0x1] =	stream.indirect_vreg.gather [hbm4b:s1+s5], $0x80, v4, vm0, $0xb8;
	[tilespmem:$0x1CD80] =	vst v63  }
0x80: {  	_ = 	snop  }
0x81: {  	[tilespmem:s31], [sflag:$0x1] =	stream.indirect_vreg.gather [hbm4b:s1+s5], $0x80, v3, vm0, $0xb8;
	[tilespmem:$0x1CD80] =	vst v63  }
0x82: {  	v3 =	vld [tilespmem:$0x30];
	_ =	sdelay $0x4  }
0x83: {  	v52 =	vshll.u32 v3, $0x1  }
0x84: {  	v3 =	vand.u32 $0x7, v3;
	v4 =	vand.u32 $0xFFFFFFF0, v52  }
0x85: {  	v3 =	vor.u32 v3, v4  }
0x86: {  	v4 =	vperm.xlane v3, v0;
	_ =	sdelay $0x1  }
0x87: {  	v3 =	vperm.xlane v3, v2;
	v4 =	vadd.s32 v1, v4;
	_ =	sdelay $0x1  }
0x88: {  	v3 =	vadd.s32 v1, v3;
	_ =	sdelay $0x2  }
0x89: {  	[tilespmem:s0], [sflag:$0x1] =	stream.indirect_vreg.gather [hbm4b:s1+s5], $0x80, v4, vm0, $0xb8;
	[tilespmem:$0x1CD80] =	vst v63  }
0x8a: {  	_ = 	snop  }
0x8b: {  	[tilespmem:s2], [sflag:$0x1] =	stream.indirect_vreg.gather [hbm4b:s1+s5], $0x80, v3, vm0, $0xb8;
	[tilespmem:$0x1CD80] =	vst v63  }
0x8c: {  	v3 =	vld [tilespmem:$0x40];
	_ =	sdelay $0x4  }
0x8d: {  	v53 =	vshll.u32 v3, $0x1  }
0x8e: {  	v3 =	vand.u32 $0x7, v3;
	v4 =	vand.u32 $0xFFFFFFF0, v53  }
0x8f: {  	v3 =	vor.u32 v3, v4  }
0x90: {  	v4 =	vperm.xlane v3, v0;
	_ =	sdelay $0x1  }
0x91: {  	v3 =	vperm.xlane v3, v2;
	v4 =	vadd.s32 v1, v4;
	_ =	sdelay $0x1  }
0x92: {  	v3 =	vadd.s32 v1, v3;
	_ =	sdelay $0x2  }
0x93: {  	[tilespmem:s7], [sflag:$0x1] =	stream.indirect_vreg.gather [hbm4b:s1+s5], $0x80, v4, vm0, $0xb8;
	[tilespmem:$0x1CD80] =	vst v63  }
0x94: {  	_ = 	snop  }
0x95: {  	[tilespmem:s8], [sflag:$0x1] =	stream.indirect_vreg.gather [hbm4b:s1+s5], $0x80, v3, vm0, $0xb8;
	[tilespmem:$0x1CD80] =	vst v63  }
0x96: {  	_ =	swait.ge [sflag:s9], $0x5000  }
0x97: {  	[sflag:s9] =	ssyncset.done $0x0  }
0x98: {  	s17 =	rddreg [dreg:$0x8];
	[sflag:s9] =	ssyncadd.s32 $0xFFFFB000  }
0x99: {  	[hbm4b:s17+s5] =	stream.linear.scatter [tilespmem:s25], [sflag:$0x2], $0x5000, $0x38;
	[tilespmem:$0x1CD80] =	vst v63  }
0x9a: {  	_ =	swait.ge [sflag:s24], $0x5000  }
0x9b: {  	[sflag:s24] =	ssyncset.done $0x0  }
0x9c: {  	s18 =	rddreg [dreg:$0x9];
	[sflag:s24] =	ssyncadd.s32 $0xFFFFB000  }
0x9d: {  	[tilespmem:s5], [sflag:$0x2] =	stream.linear.gather [hbm4b:s18+s5], $0x50, $0x38;
	[tilespmem:$0x1CD80] =	vst v63  }
0x9e: {  	_ =	swait.ge [sflag:s24], $0x50  }
0x9f: {  	[sflag:s24] =	ssyncset.done $0x0  }
0xa0: {  	[sflag:s24] =	ssyncadd.s32 $0xFFFFFFB0  }
0xa1: {  	v3 =	vld [tilespmem:$0x0];
	_ =	sdelay $0x4  }
0xa2: {  	v54 =	vshll.u32 v3, $0x1  }
0xa3: {  	v3 =	vand.u32 $0x7, v3;
	v4 =	vand.u32 $0xFFFFFFF0, v54  }
0xa4: {  	v3 =	vor.u32 v3, v4  }
0xa5: {  	v4 =	vperm.xlane v3, v0;
	_ =	sdelay $0x1  }
0xa6: {  	v3 =	vperm.xlane v3, v2;
	v4 =	vadd.s32 v1, v4;
	_ =	sdelay $0x1  }
0xa7: {  	v3 =	vadd.s32 v1, v3;
	_ =	sdelay $0x2  }
0xa8: {  	[tilespmem:s25], [sflag:$0x1] =	stream.indirect_vreg.gather [hbm4b:s1+s5], $0x80, v4, vm0, $0xb8;
	[tilespmem:$0x1CD80] =	vst v63  }
0xa9: {  	_ = 	snop  }
0xaa: {  	[tilespmem:s15], [sflag:$0x1] =	stream.indirect_vreg.gather [hbm4b:s1+s5], $0x80, v3, vm0, $0xb8;
	[tilespmem:$0x1CD80] =	vst v63  }
0xab: {  	v3 =	vld [tilespmem:$0x10];
	_ =	sdelay $0x4  }
0xac: {  	v55 =	vshll.u32 v3, $0x1  }
0xad: {  	v3 =	vand.u32 $0x7, v3;
	v4 =	vand.u32 $0xFFFFFFF0, v55  }
0xae: {  	v3 =	vor.u32 v3, v4  }
0xaf: {  	v4 =	vperm.xlane v3, v0;
	_ =	sdelay $0x1  }
0xb0: {  	v3 =	vperm.xlane v3, v2;
	v4 =	vadd.s32 v1, v4;
	_ =	sdelay $0x1  }
0xb1: {  	v3 =	vadd.s32 v1, v3;
	_ =	sdelay $0x2  }
0xb2: {  	[tilespmem:s28], [sflag:$0x1] =	stream.indirect_vreg.gather [hbm4b:s1+s5], $0x80, v4, vm0, $0xb8;
	[tilespmem:$0x1CD80] =	vst v63  }
0xb3: {  	_ = 	snop  }
0xb4: {  	[tilespmem:s29], [sflag:$0x1] =	stream.indirect_vreg.gather [hbm4b:s1+s5], $0x80, v3, vm0, $0xb8;
	[tilespmem:$0x1CD80] =	vst v63  }
0xb5: {  	v3 =	vld [tilespmem:$0x20];
	_ =	sdelay $0x4  }
0xb6: {  	v56 =	vshll.u32 v3, $0x1  }
0xb7: {  	v3 =	vand.u32 $0x7, v3;
	v4 =	vand.u32 $0xFFFFFFF0, v56  }
0xb8: {  	v3 =	vor.u32 v3, v4  }
0xb9: {  	v4 =	vperm.xlane v3, v0;
	_ =	sdelay $0x1  }
0xba: {  	v3 =	vperm.xlane v3, v2;
	v4 =	vadd.s32 v1, v4;
	_ =	sdelay $0x1  }
0xbb: {  	v3 =	vadd.s32 v1, v3;
	_ =	sdelay $0x2  }
0xbc: {  	[tilespmem:s30], [sflag:$0x1] =	stream.indirect_vreg.gather [hbm4b:s1+s5], $0x80, v4, vm0, $0xb8;
	[tilespmem:$0x1CD80] =	vst v63  }
0xbd: {  	_ = 	snop  }
0xbe: {  	[tilespmem:s31], [sflag:$0x1] =	stream.indirect_vreg.gather [hbm4b:s1+s5], $0x80, v3, vm0, $0xb8;
	[tilespmem:$0x1CD80] =	vst v63  }
0xbf: {  	v3 =	vld [tilespmem:$0x30];
	_ =	sdelay $0x4  }
0xc0: {  	v57 =	vshll.u32 v3, $0x1  }
0xc1: {  	v3 =	vand.u32 $0x7, v3;
	v4 =	vand.u32 $0xFFFFFFF0, v57  }
0xc2: {  	v3 =	vor.u32 v3, v4  }
0xc3: {  	v4 =	vperm.xlane v3, v0;
	_ =	sdelay $0x1  }
0xc4: {  	v3 =	vperm.xlane v3, v2;
	v4 =	vadd.s32 v1, v4;
	_ =	sdelay $0x1  }
0xc5: {  	v3 =	vadd.s32 v1, v3;
	_ =	sdelay $0x2  }
0xc6: {  	[tilespmem:s0], [sflag:$0x1] =	stream.indirect_vreg.gather [hbm4b:s1+s5], $0x80, v4, vm0, $0xb8;
	[tilespmem:$0x1CD80] =	vst v63  }
0xc7: {  	_ = 	snop  }
0xc8: {  	[tilespmem:s2], [sflag:$0x1] =	stream.indirect_vreg.gather [hbm4b:s1+s5], $0x80, v3, vm0, $0xb8;
	[tilespmem:$0x1CD80] =	vst v63  }
0xc9: {  	v3 =	vld [tilespmem:$0x40];
	_ =	sdelay $0x4  }
0xca: {  	v58 =	vshll.u32 v3, $0x1  }
0xcb: {  	v3 =	vand.u32 $0x7, v3;
	v4 =	vand.u32 $0xFFFFFFF0, v58  }
0xcc: {  	v3 =	vor.u32 v3, v4  }
0xcd: {  	v4 =	vperm.xlane v3, v0;
	_ =	sdelay $0x1  }
0xce: {  	v3 =	vperm.xlane v3, v2;
	v4 =	vadd.s32 v1, v4;
	_ =	sdelay $0x1  }
0xcf: {  	v3 =	vadd.s32 v1, v3;
	_ =	sdelay $0x2  }
0xd0: {  	[tilespmem:s7], [sflag:$0x1] =	stream.indirect_vreg.gather [hbm4b:s1+s5], $0x80, v4, vm0, $0xb8;
	[tilespmem:$0x1CD80] =	vst v63  }
0xd1: {  	_ = 	snop  }
0xd2: {  	[tilespmem:s8], [sflag:$0x1] =	stream.indirect_vreg.gather [hbm4b:s1+s5], $0x80, v3, vm0, $0xb8;
	[tilespmem:$0x1CD80] =	vst v63  }
0xd3: {  	_ =	swait.ge [sflag:s9], $0x5000  }
0xd4: {  	[sflag:s9] =	ssyncset.done $0x0  }
0xd5: {  	s19 =	rddreg [dreg:$0xa];
	[sflag:s9] =	ssyncadd.s32 $0xFFFFB000  }
0xd6: {  	[hbm4b:s19+s5] =	stream.linear.scatter [tilespmem:s25], [sflag:$0x2], $0x5000, $0x38;
	[tilespmem:$0x1CD80] =	vst v63  }
0xd7: {  	_ =	swait.ge [sflag:s24], $0x5000  }
0xd8: {  	[sflag:s24] =	ssyncset.done $0x0  }
0xd9: {  	s26 =	rddreg [dreg:$0xb];
	[sflag:s24] =	ssyncadd.s32 $0xFFFFB000  }
0xda: {  	[tilespmem:s5], [sflag:$0x2] =	stream.linear.gather [hbm4b:s26+s5], $0x50, $0x38;
	[tilespmem:$0x1CD80] =	vst v63  }
0xdb: {  	_ =	swait.ge [sflag:s24], $0x50  }
0xdc: {  	[sflag:s24] =	ssyncset.done $0x0  }
0xdd: {  	[sflag:s24] =	ssyncadd.s32 $0xFFFFFFB0  }
0xde: {  	v3 =	vld [tilespmem:$0x0];
	_ =	sdelay $0x4  }
0xdf: {  	v59 =	vshll.u32 v3, $0x1  }
0xe0: {  	v3 =	vand.u32 $0x7, v3;
	v4 =	vand.u32 $0xFFFFFFF0, v59  }
0xe1: {  	v3 =	vor.u32 v3, v4  }
0xe2: {  	v4 =	vperm.xlane v3, v0;
	_ =	sdelay $0x1  }
0xe3: {  	v3 =	vperm.xlane v3, v2;
	v4 =	vadd.s32 v1, v4;
	_ =	sdelay $0x1  }
0xe4: {  	v3 =	vadd.s32 v1, v3;
	_ =	sdelay $0x2  }
0xe5: {  	[tilespmem:s25], [sflag:$0x1] =	stream.indirect_vreg.gather [hbm4b:s1+s5], $0x80, v4, vm0, $0xb8;
	[tilespmem:$0x1CD80] =	vst v63  }
0xe6: {  	_ = 	snop  }
0xe7: {  	[tilespmem:s15], [sflag:$0x1] =	stream.indirect_vreg.gather [hbm4b:s1+s5], $0x80, v3, vm0, $0xb8;
	[tilespmem:$0x1CD80] =	vst v63  }
0xe8: {  	v3 =	vld [tilespmem:$0x10];
	_ =	sdelay $0x4  }
0xe9: {  	v60 =	vshll.u32 v3, $0x1  }
0xea: {  	v3 =	vand.u32 $0x7, v3;
	v4 =	vand.u32 $0xFFFFFFF0, v60  }
0xeb: {  	v3 =	vor.u32 v3, v4  }
0xec: {  	v4 =	vperm.xlane v3, v0;
	_ =	sdelay $0x1  }
0xed: {  	v3 =	vperm.xlane v3, v2;
	v4 =	vadd.s32 v1, v4;
	_ =	sdelay $0x1  }
0xee: {  	v3 =	vadd.s32 v1, v3;
	_ =	sdelay $0x2  }
0xef: {  	[tilespmem:s28], [sflag:$0x1] =	stream.indirect_vreg.gather [hbm4b:s1+s5], $0x80, v4, vm0, $0xb8;
	[tilespmem:$0x1CD80] =	vst v63  }
0xf0: {  	_ = 	snop  }
0xf1: {  	[tilespmem:s29], [sflag:$0x1] =	stream.indirect_vreg.gather [hbm4b:s1+s5], $0x80, v3, vm0, $0xb8;
	[tilespmem:$0x1CD80] =	vst v63  }
0xf2: {  	v3 =	vld [tilespmem:$0x20];
	_ =	sdelay $0x4  }
0xf3: {  	v61 =	vshll.u32 v3, $0x1  }
0xf4: {  	v3 =	vand.u32 $0x7, v3;
	v4 =	vand.u32 $0xFFFFFFF0, v61  }
0xf5: {  	v3 =	vor.u32 v3, v4  }
0xf6: {  	v4 =	vperm.xlane v3, v0;
	_ =	sdelay $0x1  }
0xf7: {  	v3 =	vperm.xlane v3, v2;
	v4 =	vadd.s32 v1, v4;
	_ =	sdelay $0x1  }
0xf8: {  	v3 =	vadd.s32 v1, v3;
	_ =	sdelay $0x2  }
0xf9: {  	[tilespmem:s30], [sflag:$0x1] =	stream.indirect_vreg.gather [hbm4b:s1+s5], $0x80, v4, vm0, $0xb8;
	[tilespmem:$0x1CD80] =	vst v63  }
0xfa: {  	_ = 	snop  }
0xfb: {  	[tilespmem:s31], [sflag:$0x1] =	stream.indirect_vreg.gather [hbm4b:s1+s5], $0x80, v3, vm0, $0xb8;
	[tilespmem:$0x1CD80] =	vst v63  }
0xfc: {  	v3 =	vld [tilespmem:$0x30];
	_ =	sdelay $0x4  }
0xfd: {  	v62 =	vshll.u32 v3, $0x1  }
0xfe: {  	v3 =	vand.u32 $0x7, v3;
	v4 =	vand.u32 $0xFFFFFFF0, v62  }
0xff: {  	v3 =	vor.u32 v3, v4  }
0x100: {  	v4 =	vperm.xlane v3, v0;
	_ =	sdelay $0x1  }
0x101: {  	v3 =	vperm.xlane v3, v2;
	v4 =	vadd.s32 v1, v4;
	_ =	sdelay $0x1  }
0x102: {  	v3 =	vadd.s32 v1, v3;
	_ =	sdelay $0x2  }
0x103: {  	[tilespmem:s0], [sflag:$0x1] =	stream.indirect_vreg.gather [hbm4b:s1+s5], $0x80, v4, vm0, $0xb8;
	[tilespmem:$0x1CD80] =	vst v63  }
0x104: {  	_ = 	snop  }
0x105: {  	[tilespmem:s2], [sflag:$0x1] =	stream.indirect_vreg.gather [hbm4b:s1+s5], $0x80, v3, vm0, $0xb8;
	[tilespmem:$0x1CD80] =	vst v63  }
0x106: {  	v3 =	vld [tilespmem:$0x40];
	_ =	sdelay $0x4  }
0x107: {  	v63 =	vshll.u32 v3, $0x1  }
0x108: {  	v3 =	vand.u32 $0x7, v3;
	v4 =	vand.u32 $0xFFFFFFF0, v63  }
0x109: {  	v3 =	vor.u32 v3, v4  }
0x10a: {  	v4 =	vperm.xlane v3, v0;
	_ =	sdelay $0x1  }
0x10b: {  	v3 =	vperm.xlane v3, v2;
	v4 =	vadd.s32 v1, v4;
	_ =	sdelay $0x1  }
0x10c: {  	v3 =	vadd.s32 v1, v3;
	_ =	sdelay $0x2  }
0x10d: {  	[tilespmem:s7], [sflag:$0x1] =	stream.indirect_vreg.gather [hbm4b:s1+s5], $0x80, v4, vm0, $0xb8;
	[tilespmem:$0x1CD80] =	vst v63  }
0x10e: {  	_ = 	snop  }
0x10f: {  	[tilespmem:s8], [sflag:$0x1] =	stream.indirect_vreg.gather [hbm4b:s1+s5], $0x80, v3, vm0, $0xb8;
	[tilespmem:$0x1CD80] =	vst v63  }
0x110: {  	_ =	swait.ge [sflag:s9], $0x5000  }
0x111: {  	[sflag:s9] =	ssyncset.done $0x0  }
0x112: {  	s17 =	stileid.u32;
	s16 =	rddreg [dreg:$0xc];
	[sflag:s9] =	ssyncadd.s32 $0xFFFFB000  }
0x113: {  	[hbm4b:s16+s5] =	stream.linear.scatter [tilespmem:s25], [sflag:$0x2], $0x5000, $0x38;
	[tilespmem:$0x1CD80] =	vst v63  }
0x114: {  	s14 =	sshll.u32 s17, $0x6;
	_ =	swait.ge [sflag:s24], $0x5000  }
0x115: {  	s14 =	sor.u32 $0x1C02, s14;
	[sflag:s24] =	ssyncset.done $0x0;
	s18 =	rddreg [dreg:$0xe]  }
0x116: {  	s19 =	rddreg [dreg:$0xd];
	[sflag:s24] =	ssyncadd.s32 $0xFFFFB000;
	s16 =	sshrl.u32 s18, $0x3  }
0x117: {  	[spmem:s16], [sflag:s14] =	dma.local [hbm:s19], $0x2780  }
0x118: {  	_ =	swait.ge [sflag:s24], $0x2780  }
0x119: {  	[sflag:s24] =	ssyncset.done $0x0  }
0x11a: {  	[sflag:s24] =	ssyncadd.s32 $0xFFFFD880  }
0x11b: {  	s17 =	sadd.s32 $0x0, s20;
	[bflag:$0x0] =	sbarrier.arrive $0xFFFF  }
0x11c: {  	[tilespmem:s10], [sflag:$0x2] =	stream.linear.gather [hbm4b:s17+s5], $0x80, $0x38;
	[tilespmem:$0x1CD80] =	vst v63  }
0x11d: {  	_ =	swait.ge [sflag:s24], $0x80  }
0x11e: {  	[sflag:s24] =	ssyncset.done $0x0  }
0x11f: {  	s26 =	sadd.s32 $0x0, s21;
	[sflag:s24] =	ssyncadd.s32 $0xFFFFFF80  }
0x120: {  	[tilespmem:s11], [sflag:$0x2] =	stream.linear.gather [hbm4b:s26+s5], $0x80, $0x38;
	[tilespmem:$0x1CD80] =	vst v63  }
0x121: {  	_ =	swait.ge [sflag:s24], $0x80  }
0x122: {  	[sflag:s24] =	ssyncset.done $0x0  }
0x123: {  	[sflag:s24] =	ssyncadd.s32 $0xFFFFFF80  }
0x124: {  	[tilespmem:s12], [sflag:$0x1] =	stream.indirect.gather [hbm4b:s3+s25], $0x80, s11, s25, $0xb8;
	[tilespmem:$0x1CD80] =	vst v63  }
0x125: {  	_ =	swait.ge [sflag:s9], $0x4000  }
0x126: {  	[sflag:s9] =	ssyncset.done $0x0  }
0x127: {  	[sflag:s9] =	ssyncadd.s32 $0xFFFFC000  }
0x128: {  	[spmem:s4] =	stream.indirect.scatter.add.f32 [tilespmem:s12], [sflag:$0x2], $0x80, s10, s25, $0xb8;
	[tilespmem:$0x1CD80] =	vst v63  }
0x129: {  	_ =	swait.ge [sflag:s24], $0x4000  }
0x12a: {  	s18 =	simm.s32 $0x20;
	s17 =	simm.s32 $0x10;
	[sflag:s24] =	ssyncset.done $0x0  }
.LBB2_2:
0x12b: {  	s19 =	sadd.s32 s17, s20  }
0x12c: {  	[sflag:s24] =	ssyncadd.s32 $0xFFFFC000;
	s15 =	smov.u32 s18;
	s26 =	sadd.s32 $0x10, s18  }
0x12d: {  	[tilespmem:s10], [sflag:$0x2] =	stream.linear.gather [hbm4b:s19+s5], $0x80, $0x38;
	[tilespmem:$0x1CD80] =	vst v63  }
0x12e: {  	p0 =	sne.s32 s18, $0x4F0;
	_ =	swait.ge [sflag:s24], $0x80  }
0x12f: {  	[sflag:s24] =	ssyncset.done $0x0  }
0x130: {  	s18 =	sadd.s32 s17, s21;
	s17 =	smov.u32 s15;
	[sflag:s24] =	ssyncadd.s32 $0xFFFFFF80  }
0x131: {  	[tilespmem:s11], [sflag:$0x2] =	stream.linear.gather [hbm4b:s18+s5], $0x80, $0x38;
	[tilespmem:$0x1CD80] =	vst v63  }
0x132: {  	_ =	swait.ge [sflag:s24], $0x80  }
0x133: {  	[sflag:s24] =	ssyncset.done $0x0  }
0x134: {  	[sflag:s24] =	ssyncadd.s32 $0xFFFFFF80  }
0x135: {  	[tilespmem:s12], [sflag:$0x1] =	stream.indirect.gather [hbm4b:s3+s25], $0x80, s11, s25, $0xb8;
	[tilespmem:$0x1CD80] =	vst v63  }
0x136: {  	_ =	swait.ge [sflag:s9], $0x4000  }
.Ltmp0:
0x137: {  	[sflag:s9] =	ssyncset.done $0x0;
	(pc) =	sbr.rel @p0 .LBB2_2-.Ltmp0, $4  }
0x138: {  	[sflag:s9] =	ssyncadd.s32 $0xFFFFC000  }
0x139: {  	[spmem:s4] =	stream.indirect.scatter.add.f32 [tilespmem:s12], [sflag:$0x2], $0x80, s10, s25, $0xb8;
	[tilespmem:$0x1CD80] =	vst v63  }
0x13a: {  	_ =	swait.ge [sflag:s24], $0x4000  }
0x13b: {  	s18 =	smov.u32 s26;
	[sflag:s24] =	ssyncset.done $0x0  }
0x13c: {  	s15 =	sadd.s32 s17, s20;
	[sflag:s24] =	ssyncadd.s32 $0xFFFFC000  }
0x13d: {  	[tilespmem:s10], [sflag:$0x2] =	stream.linear.gather [hbm4b:s15+s5], $0x80, $0x38;
	[tilespmem:$0x1CD80] =	vst v63  }
0x13e: {  	_ =	swait.ge [sflag:s24], $0x80  }
0x13f: {  	[sflag:s24] =	ssyncset.done $0x0  }
0x140: {  	s26 =	sadd.s32 s17, s21;
	[sflag:s24] =	ssyncadd.s32 $0xFFFFFF80  }
0x141: {  	[tilespmem:s11], [sflag:$0x2] =	stream.linear.gather [hbm4b:s26+s5], $0x80, $0x38;
	[tilespmem:$0x1CD80] =	vst v63  }
0x142: {  	_ =	swait.ge [sflag:s24], $0x80  }
0x143: {  	[sflag:s24] =	ssyncset.done $0x0  }
0x144: {  	[sflag:s24] =	ssyncadd.s32 $0xFFFFFF80  }
0x145: {  	[tilespmem:s12], [sflag:$0x1] =	stream.indirect.gather [hbm4b:s3+s25], $0x80, s11, s25, $0xb8;
	[tilespmem:$0x1CD80] =	vst v63  }
0x146: {  	_ =	swait.ge [sflag:s9], $0x4000  }
0x147: {  	[sflag:s9] =	ssyncset.done $0x0  }
0x148: {  	[sflag:s9] =	ssyncadd.s32 $0xFFFFC000  }
0x149: {  	[spmem:s4] =	stream.indirect.scatter.add.f32 [tilespmem:s12], [sflag:$0x2], $0x80, s10, s25, $0xb8;
	[tilespmem:$0x1CD80] =	vst v63  }
0x14a: {  	_ =	swait.ge [sflag:s24], $0x4000  }
0x14b: {  	[sflag:s24] =	ssyncset.done $0x0  }
0x14c: {  	[sflag:s24] =	ssyncadd.s32 $0xFFFFC000  }
0x14d: {  	[bflag:$0x0] =	sbarrier.arrive $0xFFFF  }
0x14e: {  	s17 =	rddreg [dreg:$0xf]  }
0x14f: {  	[hbm:s17], [sflag:s14] =	dma.local [spmem:s16], $0x2780  }
0x150: {  	_ =	swait.ge [sflag:s24], $0x2780  }
0x151: {  	[sflag:s24] =	ssyncset.done $0x0  }
0x152: {  	[sflag:s24] =	ssyncadd.s32 $0xFFFFD880  }
0x153: {  	[bflag:$0x0] =	sbarrier.arrive $0xFFFF  }
0x154: {  	s18 =	rddreg [dreg:$0xd]  }
0x155: {  	[spmem:s16], [sflag:s14] =	dma.local [hbm:s18], $0x2780  }
0x156: {  	_ =	swait.ge [sflag:s24], $0x2780  }
0x157: {  	[sflag:s24] =	ssyncset.done $0x0  }
0x158: {  	[sflag:s24] =	ssyncadd.s32 $0xFFFFD880  }
0x159: {  	s19 =	sadd.s32 $0x0, s22;
	[bflag:$0x0] =	sbarrier.arrive $0xFFFF  }
0x15a: {  	[tilespmem:s10], [sflag:$0x2] =	stream.linear.gather [hbm4b:s19+s5], $0x80, $0x38;
	[tilespmem:$0x1CD80] =	vst v63  }
0x15b: {  	_ =	swait.ge [sflag:s24], $0x80  }
0x15c: {  	[sflag:s24] =	ssyncset.done $0x0  }
0x15d: {  	s26 =	sadd.s32 $0x0, s23;
	[sflag:s24] =	ssyncadd.s32 $0xFFFFFF80  }
0x15e: {  	[tilespmem:s11], [sflag:$0x2] =	stream.linear.gather [hbm4b:s26+s5], $0x80, $0x38;
	[tilespmem:$0x1CD80] =	vst v63  }
0x15f: {  	_ =	swait.ge [sflag:s24], $0x80  }
0x160: {  	[sflag:s24] =	ssyncset.done $0x0  }
0x161: {  	[sflag:s24] =	ssyncadd.s32 $0xFFFFFF80  }
0x162: {  	[tilespmem:s12], [sflag:$0x1] =	stream.indirect.gather [hbm4b:s6+s25], $0x80, s11, s25, $0xb8;
	[tilespmem:$0x1CD80] =	vst v63  }
0x163: {  	_ =	swait.ge [sflag:s9], $0x4000  }
0x164: {  	[sflag:s9] =	ssyncset.done $0x0  }
0x165: {  	[sflag:s9] =	ssyncadd.s32 $0xFFFFC000  }
0x166: {  	[spmem:s4] =	stream.indirect.scatter.add.f32 [tilespmem:s12], [sflag:$0x2], $0x80, s10, s25, $0xb8;
	[tilespmem:$0x1CD80] =	vst v63  }
0x167: {  	_ =	swait.ge [sflag:s24], $0x4000  }
0x168: {  	s17 =	simm.s32 $0x10;
	s18 =	simm.s32 $0x20;
	[sflag:s24] =	ssyncset.done $0x0  }
.LBB2_4:
0x169: {  	s15 =	sadd.s32 s17, s22  }
0x16a: {  	[sflag:s24] =	ssyncadd.s32 $0xFFFFC000;
	s19 =	smov.u32 s18;
	s26 =	sadd.s32 $0x10, s18  }
0x16b: {  	[tilespmem:s10], [sflag:$0x2] =	stream.linear.gather [hbm4b:s15+s5], $0x80, $0x38;
	[tilespmem:$0x1CD80] =	vst v63  }
0x16c: {  	p0 =	sne.s32 s18, $0x4F0;
	_ =	swait.ge [sflag:s24], $0x80  }
0x16d: {  	[sflag:s24] =	ssyncset.done $0x0  }
0x16e: {  	s15 =	sadd.s32 s17, s23;
	s17 =	smov.u32 s19;
	[sflag:s24] =	ssyncadd.s32 $0xFFFFFF80  }
0x16f: {  	[tilespmem:s11], [sflag:$0x2] =	stream.linear.gather [hbm4b:s15+s5], $0x80, $0x38;
	[tilespmem:$0x1CD80] =	vst v63  }
0x170: {  	_ =	swait.ge [sflag:s24], $0x80  }
0x171: {  	[sflag:s24] =	ssyncset.done $0x0  }
0x172: {  	[sflag:s24] =	ssyncadd.s32 $0xFFFFFF80  }
0x173: {  	[tilespmem:s12], [sflag:$0x1] =	stream.indirect.gather [hbm4b:s6+s25], $0x80, s11, s25, $0xb8;
	[tilespmem:$0x1CD80] =	vst v63  }
0x174: {  	_ =	swait.ge [sflag:s9], $0x4000  }
.Ltmp1:
0x175: {  	[sflag:s9] =	ssyncset.done $0x0;
	(pc) =	sbr.rel @p0 .LBB2_4-.Ltmp1, $4  }
0x176: {  	[sflag:s9] =	ssyncadd.s32 $0xFFFFC000  }
0x177: {  	[spmem:s4] =	stream.indirect.scatter.add.f32 [tilespmem:s12], [sflag:$0x2], $0x80, s10, s25, $0xb8;
	[tilespmem:$0x1CD80] =	vst v63  }
0x178: {  	_ =	swait.ge [sflag:s24], $0x4000  }
0x179: {  	s18 =	smov.u32 s26;
	[sflag:s24] =	ssyncset.done $0x0  }
0x17a: {  	s15 =	sadd.s32 s17, s22;
	[sflag:s24] =	ssyncadd.s32 $0xFFFFC000  }
0x17b: {  	[tilespmem:s10], [sflag:$0x2] =	stream.linear.gather [hbm4b:s15+s5], $0x80, $0x38;
	[tilespmem:$0x1CD80] =	vst v63  }
0x17c: {  	_ =	swait.ge [sflag:s24], $0x80  }
0x17d: {  	[sflag:s24] =	ssyncset.done $0x0  }
0x17e: {  	s18 =	sadd.s32 s17, s23;
	[sflag:s24] =	ssyncadd.s32 $0xFFFFFF80  }
0x17f: {  	[tilespmem:s11], [sflag:$0x2] =	stream.linear.gather [hbm4b:s18+s5], $0x80, $0x38;
	[tilespmem:$0x1CD80] =	vst v63  }
0x180: {  	_ =	swait.ge [sflag:s24], $0x80  }
0x181: {  	[sflag:s24] =	ssyncset.done $0x0  }
0x182: {  	[sflag:s24] =	ssyncadd.s32 $0xFFFFFF80  }
0x183: {  	[tilespmem:s12], [sflag:$0x1] =	stream.indirect.gather [hbm4b:s6+s25], $0x80, s11, s25, $0xb8;
	[tilespmem:$0x1CD80] =	vst v63  }
0x184: {  	_ =	swait.ge [sflag:s9], $0x4000  }
0x185: {  	[sflag:s9] =	ssyncset.done $0x0  }
0x186: {  	[sflag:s9] =	ssyncadd.s32 $0xFFFFC000  }
0x187: {  	[spmem:s4] =	stream.indirect.scatter.add.f32 [tilespmem:s12], [sflag:$0x2], $0x80, s10, s25, $0xb8;
	[tilespmem:$0x1CD80] =	vst v63  }
0x188: {  	_ =	swait.ge [sflag:s24], $0x4000  }
0x189: {  	[sflag:s24] =	ssyncset.done $0x0  }
0x18a: {  	[sflag:s24] =	ssyncadd.s32 $0xFFFFC000  }
0x18b: {  	[bflag:$0x0] =	sbarrier.arrive $0xFFFF  }
0x18c: {  	s19 =	rddreg [dreg:$0x10]  }
0x18d: {  	[hbm:s19], [sflag:s14] =	dma.local [spmem:s16], $0x2780  }
0x18e: {  	_ =	swait.ge [sflag:s24], $0x2780  }
0x18f: {  	s13 =	sadd.s32 $0x1, s13;
	s26 =	rddreg [dreg:$0x11]  }
0x190: {  	p0 =	sne.s32 s13, s26  }
.Ltmp2:
0x191: {  	_ = 	snop;
	(pc) =	sbr.rel @p0 .LBB2_1-.Ltmp2, $3  }
0x192: {  	[sflag:s24] =	ssyncset.done $0x0  }
0x193: {  	[sflag:s24] =	ssyncadd.s32 $0xFFFFD880  }
0x194: {  	[bflag:$0x0] =	sbarrier.arrive $0xFFFF;
	_ =	sdelay $0x1  }
0x195: {  	_ =	sfence.sel $0x180000  }
0x196: {  	[bflag:$0x0] =	sbarrier.arrive $0xFFFF  }
0x197: {  	_ =	strace $0x90000047  }
0x198: {  	s0 =	stileid.u32;
	[bflag:$0x2] =	sbarrier.arrive $0xFFFF  }
0x199: {  	p0 =	sne.s32 s0, $0x0;
	s0 =	rddreg [dreg:$0x4]  }
0x19a: {  	s0 =	sadd.s32 @!p0 $0x100000, s0  }
0x19b: {  	[sflag:s0] =	ssyncadd.tile.s32 @!p0 $0x1;
	_ =	shalt  }
.Lfunc_end2:
_tile_overlayer_lowered:
.L_overlay_start_2:
0x19c: {  	(tag) =	ssettag $0x2  }
0x19d: {  	s0 =	rddreg [dreg:$0x0];
	s2 =	stileid.u32  }
0x19e: {  	s1 =	rddreg [dreg:$0x1];
	p0 =	sne.s32 s2, $0x0  }
0x19f: {  	s3 =	rddreg [dreg:$0x2];
	[bflag:$0x3] =	sbarrier.arrive $0xFFFF;
	s2 =	simm.s32 @!p0 $0x1C02  }
0x1a0: {  	[timem:s3], [sflag:s2] =	dma.local @!p0 [hbm:s0], s1  }
0x1a1: {  	s0 =	simm.s32 @!p0 $0x2  }
0x1a2: {  	_ =	swait.ge @!p0 [sflag:s0], s1  }
0x1a3: {  	s1 =	ssub.s32 @!p0 $0x0, s1;
	[sflag:s0] =	ssyncset.done @!p0 $0x0  }
0x1a4: {  	[sflag:s0] =	ssyncadd.s32 @!p0 s1  }
0x1a5: {  	[bflag:$0x3] =	sbarrier.arrive $0xFFFF  }
0x1a6: {  	_ =	shalt  }

</sc_bundles>
